<compile_context>
chip_gen: v7x
topology: tpu7x:2x2x1
jax: 0.10.2.dev20260603
libtpu: 0.0.44.dev20260713+nightly
codegen_flags: <defaults>
</compile_context>

<pallas_src>
import jax
import jax.numpy as jnp
import numpy as np
from jax import lax
from jax.experimental import pallas as pl
from jax.experimental.pallas import tpu as pltpu
from jax.experimental.pallas import tpu_sc as plsc

_NMS_THR = 0.4
_K = 1000
_MAX_OUT = 300
_R, _C = 160, 128
_P = _R * _C
_KPAD = 1024
_TRASH = 1020
_NEG = np.float32(-1e30)
_BIGI = np.int32(2 ** 22)



def _score_kernel(cls_ref, scores_ref, pos_ref):
    scores = jnp.max(cls_ref[...], axis=0)
    idx = (lax.broadcasted_iota(jnp.int32, (_R, _C), 0) * _C
           + lax.broadcasted_iota(jnp.int32, (_R, _C), 1))

    def bs_val(_, carry):
        lo, hi = carry
        mid = (lo + hi) // 2
        t = lax.bitcast_convert_type(mid, jnp.float32)
        cnt = jnp.sum((scores >= t).astype(jnp.int32))
        big = cnt >= _K
        return jnp.where(big, mid, lo), jnp.where(big, hi, mid)

    lo, hi = lax.fori_loop(0, 31, bs_val, (jnp.int32(0), jnp.int32(0x3F800000)))
    vk = lax.bitcast_convert_type(lo, jnp.float32)

    cnt_gt = jnp.sum((scores > vk).astype(jnp.int32))
    need = _K - cnt_gt
    eq = scores == vk

    def bs_idx(_, carry):
        lo2, hi2 = carry
        mid = (lo2 + hi2) // 2
        cnt = jnp.sum((eq & (idx <= mid)).astype(jnp.int32))
        ok = cnt >= need
        return jnp.where(ok, lo2, mid), jnp.where(ok, mid, hi2)

    lo2, hi2 = lax.fori_loop(0, 16, bs_idx, (jnp.int32(-1), jnp.int32(_P - 1)))
    keep = (scores > vk) | (eq & (idx <= hi2))

    kf = keep.astype(jnp.float32)
    ut = (lax.broadcasted_iota(jnp.int32, (_C, _C), 0)
          <= lax.broadcasted_iota(jnp.int32, (_C, _C), 1)).astype(jnp.float32)
    cs = jnp.dot(kf, ut, preferred_element_type=jnp.float32)
    row_tot = cs[:, _C - 1:_C]
    tl = (lax.broadcasted_iota(jnp.int32, (_R, _R), 1)
          < lax.broadcasted_iota(jnp.int32, (_R, _R), 0)).astype(jnp.float32)
    row_off = jnp.dot(tl, row_tot, preferred_element_type=jnp.float32)
    rank = (row_off + cs - kf).astype(jnp.int32)

    scores_ref[...] = scores
    pos_ref[...] = jnp.where(keep, rank, _TRASH)



def _sc_body(pos_hbm, ar_hbm, x1_hbm, y1_hbm, x2_hbm, y2_hbm, sc_hbm,
             oidx_hbm, f0_hbm, f1_hbm, f2_hbm, f3_hbm, f4_hbm,
             pos_v, ar_v, oi_sp, oi_v, f_sp, fb_v, sem):
    wid = lax.axis_index("s") * 2 + lax.axis_index("c")

    @pl.when(wid == 0)
    def _():
        pltpu.sync_copy(pos_hbm, pos_v)
        pltpu.sync_copy(ar_hbm, ar_v)

        pltpu.async_copy(ar_v, oi_sp.at[pos_v], sem).wait()

        pltpu.sync_copy(oi_sp, oi_v)
        for j in range(_KPAD // 16):
            v = oi_v[pl.ds(j * 16, 16)]
            oi_v[pl.ds(j * 16, 16)] = jnp.clip(v, 0, _P - 1)
        pltpu.sync_copy(oi_v, oidx_hbm)

        for fin, fout in ((x1_hbm, f0_hbm), (y1_hbm, f1_hbm),
                          (x2_hbm, f2_hbm), (y2_hbm, f3_hbm),
                          (sc_hbm, f4_hbm)):
            pltpu.sync_copy(fin, f_sp)
            pltpu.async_copy(f_sp.at[oi_v], fb_v, sem).wait()
            pltpu.sync_copy(fb_v, fout)


def _sc_compact(pos2, ar2, x1, y1, x2, y2, sc):
    mesh = plsc.VectorSubcoreMesh(core_axis_name="c", subcore_axis_name="s")
    f = pl.kernel(
        _sc_body,
        out_type=(
            jax.ShapeDtypeStruct((_KPAD,), jnp.int32),
            jax.ShapeDtypeStruct((_KPAD,), jnp.float32),
            jax.ShapeDtypeStruct((_KPAD,), jnp.float32),
            jax.ShapeDtypeStruct((_KPAD,), jnp.float32),
            jax.ShapeDtypeStruct((_KPAD,), jnp.float32),
            jax.ShapeDtypeStruct((_KPAD,), jnp.float32),
        ),
        mesh=mesh,
        scratch_types=[
            pltpu.VMEM((_P,), jnp.int32),
            pltpu.VMEM((_P,), jnp.int32),
            pltpu.VMEM_SHARED((_KPAD,), jnp.int32),
            pltpu.VMEM((_KPAD,), jnp.int32),
            pltpu.VMEM_SHARED((_P,), jnp.float32),
            pltpu.VMEM((_KPAD,), jnp.float32),
            pltpu.SemaphoreType.DMA,
        ],
    )
    return f(pos2, ar2, x1, y1, x2, y2, sc)



def _nms_kernel(x1_ref, y1_ref, x2_ref, y2_ref, sc_ref,
                x1s_ref, y1s_ref, x2s_ref, y2s_ref, ids_ref, det_ref,
                out_ref):
    slot = (lax.broadcasted_iota(jnp.int32, (8, _C), 0) * _C
            + lax.broadcasted_iota(jnp.int32, (8, _C), 1))
    real = slot < _K
    x1 = jnp.where(real, x1_ref[...], 0.0)
    y1 = jnp.where(real, y1_ref[...], 0.0)
    x2 = jnp.where(real, x2_ref[...], 0.0)
    y2 = jnp.where(real, y2_ref[...], 0.0)
    sw0 = jnp.where(real, sc_ref[...], _NEG)
    area_b = jnp.maximum(x2 - x1, 0.0) * jnp.maximum(y2 - y1, 0.0)
    neg_half = _NEG / 2

    slotf = slot.astype(jnp.float32)

    def nms_body(i, sw):
        m = jnp.max(sw)
        is_valid = m > neg_half
        sbestf = jnp.min(jnp.where(sw == m, slotf, jnp.float32(4096.0)))
        sbest = sbestf.astype(jnp.int32)
        bsel = slotf == sbestf
        bx1 = x1s_ref[pl.ds(sbest, 1), 0][0]
        by1 = y1s_ref[pl.ds(sbest, 1), 0][0]
        bx2 = x2s_ref[pl.ds(sbest, 1), 0][0]
        by2 = y2s_ref[pl.ds(sbest, 1), 0][0]
        ix1 = jnp.maximum(bx1, x1)
        iy1 = jnp.maximum(by1, y1)
        ix2 = jnp.minimum(bx2, x2)
        iy2 = jnp.minimum(by2, y2)
        inter = jnp.maximum(ix2 - ix1, 0.0) * jnp.maximum(iy2 - iy1, 0.0)
        area_a = jnp.maximum(bx2 - bx1, 0.0) * jnp.maximum(by2 - by1, 0.0)
        union = area_a + area_b - inter
        iou = inter / jnp.maximum(union, 1e-9)
        suppress = (iou > _NMS_THR) | bsel
        sw = jnp.where(is_valid & suppress, _NEG, sw)
        bi = jnp.minimum(ids_ref[pl.ds(sbest, 1), 0][0],
                         det_ref.shape[0] - 1)
        row = det_ref[pl.ds(bi, 1), :]
        out_ref[pl.ds(i, 1), :] = jnp.where(is_valid, row, 0.0)
        return sw

    lax.fori_loop(0, _MAX_OUT, nms_body, sw0)



def kernel(boxes, classification, detections):
    b = boxes[0]
    cls = classification[0]
    det = detections[0]
    n = b.shape[0]
    pad = _P - n
    cls_t = jnp.pad(cls.T, ((0, 0), (0, pad)),
                    constant_values=-1e30).reshape(cls.shape[1], _R, _C)

    scores, pos2 = pl.pallas_call(
        _score_kernel,
        out_shape=(
            jax.ShapeDtypeStruct((_R, _C), jnp.float32),
            jax.ShapeDtypeStruct((_R, _C), jnp.int32),
        ),
    )(cls_t)

    bp = jnp.pad(b, ((0, pad), (0, 0)))
    ar2 = jnp.arange(_P, dtype=jnp.int32)
    oidx, f0, f1, f2, f3, f4 = _sc_compact(
        pos2.reshape(_P), ar2, bp[:, 0], bp[:, 1], bp[:, 2], bp[:, 3],
        scores.reshape(_P))

    out = pl.pallas_call(
        _nms_kernel,
        out_shape=jax.ShapeDtypeStruct((_MAX_OUT, det.shape[1]), jnp.float32),
    )(f0.reshape(8, _C), f1.reshape(8, _C), f2.reshape(8, _C),
      f3.reshape(8, _C), f4.reshape(8, _C),
      f0[:, None], f1[:, None], f2[:, None], f3[:, None], oidx[:, None],
      det)
    return out[None]

# --- scband reference (transcript-rebuilt; emitter-appended) ---
"""Pipeline reference for scband-non-maximum-suppression-67259187856050 (READ-ONLY COPY).

The authoritative reference and input builder live on the scoring server;
editing this copy changes nothing except your own understanding.
"""

import jax, jax.numpy as jnp
import numpy as np

NMS_THRESHOLD = 0.4
TOP_K = 1000
MAX_BOXES = 300


def setup_inputs(seed: int = 0) -> dict:
    key = jax.random.key(seed)
    k1, k2, k3 = jax.random.split(key, 3)
    N = 20000
    b = jax.random.uniform(k1, (1, N, 4), dtype=jnp.float32)
    xy = b[..., :2] * 500.0
    wh = b[..., 2:] * 100.0 + 1.0
    boxes = jnp.concatenate([xy, xy + wh], axis=-1)
    classification = jax.random.uniform(k2, (1, N, 80), dtype=jnp.float32)
    detections = jax.random.normal(k3, (1, N, 84), dtype=jnp.float32)
    return {"boxes": boxes, "classification": classification, "detections": detections}


def _iou_one_vs_all(box, boxes):
    x1 = jnp.maximum(box[0], boxes[:, 0])
    y1 = jnp.maximum(box[1], boxes[:, 1])
    x2 = jnp.minimum(box[2], boxes[:, 2])
    y2 = jnp.minimum(box[3], boxes[:, 3])
    inter = jnp.maximum(x2 - x1, 0.0) * jnp.maximum(y2 - y1, 0.0)
    area_a = jnp.maximum(box[2] - box[0], 0.0) * jnp.maximum(box[3] - box[1], 0.0)
    area_b = jnp.maximum(boxes[:, 2] - boxes[:, 0], 0.0) * jnp.maximum(boxes[:, 3] - boxes[:, 1], 0.0)
    union = area_a + area_b - inter
    return inter / jnp.maximum(union, 1e-9)


def _nms_indices(boxes, scores, max_out, iou_thr):
    # greedy NMS with fixed trip count; returns padded indices + validity mask
    boxes = jax.lax.stop_gradient(boxes)
    scores = jax.lax.stop_gradient(scores)
    NEG = jnp.float32(-1e30)
    n = scores.shape[0]

    def body(i, state):
        sw, sel, valid = state
        best = jnp.argmax(sw)
        is_valid = sw[best] > (NEG / 2)
        iou = _iou_one_vs_all(boxes[best], boxes)
        suppress = (iou > iou_thr) | (jnp.arange(n) == best)
        sw = jnp.where(is_valid & suppress, NEG, sw)
        sel = sel.at[i].set(jnp.where(is_valid, best.astype(jnp.int32), 0))
        valid = valid.at[i].set(is_valid)
        return (sw, sel, valid)

    sel0 = jnp.zeros((max_out,), dtype=jnp.int32)
    valid0 = jnp.zeros((max_out,), dtype=bool)
    _, sel, valid = jax.lax.fori_loop(0, max_out, body, (scores, sel0, valid0))
    return sel, valid


def reference(boxes, classification, detections):
    boxes = boxes[0]
    classification = classification[0]
    detections = detections[0]
    scores = jnp.max(classification, axis=1)
    scores, indices = jax.lax.top_k(scores, TOP_K)
    boxes = jnp.take(boxes, indices, axis=0)
    classification = jnp.take(classification, indices, axis=0)
    detections = jnp.take(detections, indices, axis=0)
    sel, valid = _nms_indices(boxes, scores, MAX_BOXES, NMS_THRESHOLD)
    out = jnp.where(valid[:, None], jnp.take(detections, sel, axis=0), 0.0)
    return jnp.expand_dims(out, axis=0)

if __name__ == "__main__":
    import jax
    _d = setup_inputs()
    print(jax.jit(kernel)(*tuple(_d.values())))

</pallas_src>

<mosaic_0001>
#map = affine_map<(d0, d1) -> (0)>
module attributes {stable_mosaic.version = 14 : i64} {
  func.func @_sc_body(%arg0: i32, %arg1: i32, %arg2: memref<20480xi32, #tpu.memory_space<hbm>>, %arg3: memref<20480xi32, #tpu.memory_space<hbm>>, %arg4: memref<20480xf32, #tpu.memory_space<hbm>>, %arg5: memref<20480xf32, #tpu.memory_space<hbm>>, %arg6: memref<20480xf32, #tpu.memory_space<hbm>>, %arg7: memref<20480xf32, #tpu.memory_space<hbm>>, %arg8: memref<20480xf32, #tpu.memory_space<hbm>>, %arg9: memref<1024xi32, #tpu.memory_space<hbm>>, %arg10: memref<1024xf32, #tpu.memory_space<hbm>>, %arg11: memref<1024xf32, #tpu.memory_space<hbm>>, %arg12: memref<1024xf32, #tpu.memory_space<hbm>>, %arg13: memref<1024xf32, #tpu.memory_space<hbm>>, %arg14: memref<1024xf32, #tpu.memory_space<hbm>>, %arg15: memref<20480xi32, #tpu.memory_space<vmem>>, %arg16: memref<20480xi32, #tpu.memory_space<vmem>>, %arg17: memref<1024xi32, #tpu.memory_space<vmem_shared>>, %arg18: memref<1024xi32, #tpu.memory_space<vmem>>, %arg19: memref<20480xf32, #tpu.memory_space<vmem_shared>>, %arg20: memref<1024xf32, #tpu.memory_space<vmem>>, %arg21: memref<!tpu.dma_semaphore, #tpu.memory_space<semaphore_mem>>) attributes {dimension_semantics = [#tpu.dimension_semantics<core_parallel>, #tpu.dimension_semantics<subcore_parallel>], iteration_bounds = array<i64: 2, 16>, scalar_prefetch = 0 : i64, scratch_operands = 7 : i64, tpu.core_type = #tpu.core_type<sc_vector_subcore>, window_params = [{transform_indices = #map}, {transform_indices = #map}, {transform_indices = #map}, {transform_indices = #map}, {transform_indices = #map}, {transform_indices = #map}, {transform_indices = #map}, {transform_indices = #map}, {transform_indices = #map}, {transform_indices = #map}, {transform_indices = #map}, {transform_indices = #map}, {transform_indices = #map}]} {
    %mul3A = arith.constant 2 : i32
    %mul3A_0 = arith.muli %arg1, %mul3A : i32
    %add3A = arith.addi %mul3A_0, %arg0 : i32
    %eq3A = arith.constant 0 : i32
    %eq3A_1 = arith.cmpi eq, %add3A, %eq3A : i32
    %convert_element_type3A = arith.extui %eq3A_1 : i1 to i32
    %cond3A = arith.constant 0 : i32
    %cond3A_2 = arith.cmpi ne, %convert_element_type3A, %cond3A : i32
    scf.if %cond3A_2 {
      "tpu.region"() ({
        %run_scoped3A = tpu.sem_alloc : memref<!tpu.dma_semaphore, #tpu.memory_space<semaphore_mem>>
        tpu.enqueue_dma source(%arg2 : memref<20480xi32, #tpu.memory_space<hbm>>) target(%arg15 : memref<20480xi32, #tpu.memory_space<vmem>>) target_semaphore(%run_scoped3A : memref<!tpu.dma_semaphore, #tpu.memory_space<semaphore_mem>>)
        tpu.wait_dma2 semaphore(%run_scoped3A : memref<!tpu.dma_semaphore, #tpu.memory_space<semaphore_mem>>) src(%arg2 : memref<20480xi32, #tpu.memory_space<hbm>>) dst(%arg15 : memref<20480xi32, #tpu.memory_space<vmem>>)
        tpu.yield
      }) : () -> ()
      "tpu.region"() ({
        %run_scoped3A = tpu.sem_alloc : memref<!tpu.dma_semaphore, #tpu.memory_space<semaphore_mem>>
        tpu.enqueue_dma source(%arg3 : memref<20480xi32, #tpu.memory_space<hbm>>) target(%arg16 : memref<20480xi32, #tpu.memory_space<vmem>>) target_semaphore(%run_scoped3A : memref<!tpu.dma_semaphore, #tpu.memory_space<semaphore_mem>>)
        tpu.wait_dma2 semaphore(%run_scoped3A : memref<!tpu.dma_semaphore, #tpu.memory_space<semaphore_mem>>) src(%arg3 : memref<20480xi32, #tpu.memory_space<hbm>>) dst(%arg16 : memref<20480xi32, #tpu.memory_space<vmem>>)
        tpu.yield
      }) : () -> ()
      %dma_start3A = arith.constant 0 : i32
      %dma_start3A_3 = tpu.memref_slice %arg17[%dma_start3A] : memref<1024xi32, #tpu.memory_space<vmem_shared>> -> memref<1024xi32, #tpu.memory_space<vmem_shared>>
      tpu.enqueue_indirect_dma source(%arg16 : memref<20480xi32, #tpu.memory_space<vmem>>) target(%dma_start3A_3 : memref<1024xi32, #tpu.memory_space<vmem_shared>>) offsets(%arg15 : memref<20480xi32, #tpu.memory_space<vmem>>) semaphore(%arg21 : memref<!tpu.dma_semaphore, #tpu.memory_space<semaphore_mem>>)
      %dma_wait3A = arith.constant 0 : i32
      %dma_wait3A_4 = tpu.memref_slice %arg17[%dma_wait3A] : memref<1024xi32, #tpu.memory_space<vmem_shared>> -> memref<1024xi32, #tpu.memory_space<vmem_shared>>
      tpu.wait_indirect_dma semaphore(%arg21 : memref<!tpu.dma_semaphore, #tpu.memory_space<semaphore_mem>>) src(%arg16 : memref<20480xi32, #tpu.memory_space<vmem>>) dst(%dma_wait3A_4 : memref<1024xi32, #tpu.memory_space<vmem_shared>>)
      "tpu.region"() ({
        %run_scoped3A = tpu.sem_alloc : memref<!tpu.dma_semaphore, #tpu.memory_space<semaphore_mem>>
        tpu.enqueue_dma source(%arg17 : memref<1024xi32, #tpu.memory_space<vmem_shared>>) target(%arg18 : memref<1024xi32, #tpu.memory_space<vmem>>) target_semaphore(%run_scoped3A : memref<!tpu.dma_semaphore, #tpu.memory_space<semaphore_mem>>)
        tpu.wait_dma2 semaphore(%run_scoped3A : memref<!tpu.dma_semaphore, #tpu.memory_space<semaphore_mem>>) src(%arg17 : memref<1024xi32, #tpu.memory_space<vmem_shared>>) dst(%arg18 : memref<1024xi32, #tpu.memory_space<vmem>>)
        tpu.yield
      }) : () -> ()
      %get3A = arith.constant 0 : index
      %get3A_5 = tpu.vector_load %arg18[%get3A] {strides = array<i32>} : memref<1024xi32, #tpu.memory_space<vmem>>, vector<16xi32>,
      %get3A_6 = vector.shape_cast %get3A_5 : vector<16xi32> to vector<16xi32>
      %jit3A = arith.constant 0 : i32
      %jit3A_7 = arith.constant 20479 : i32
      %max3A = vector.broadcast %jit3A : i32 to vector<16xi32>
      %max3A_8 = arith.maxsi %max3A, %get3A_6 : vector<16xi32>
      %min3A = vector.broadcast %jit3A_7 : i32 to vector<16xi32>
      %min3A_9 = arith.minsi %min3A, %max3A_8 : vector<16xi32>
      %swap3A = arith.constant 0 : index
      %swap3A_10 = tpu.vector_load %arg18[%swap3A] {strides = array<i32>} : memref<1024xi32, #tpu.memory_space<vmem>>, vector<16xi32>,
      %swap3A_11 = vector.shape_cast %swap3A_10 : vector<16xi32> to vector<16xi32>
      %swap3A_12 = vector.shape_cast %min3A_9 : vector<16xi32> to vector<16xi32>
      tpu.vector_store %arg18[%swap3A], %swap3A_12 {strides = array<i32>} : memref<1024xi32, #tpu.memory_space<vmem>>, vector<16xi32>,
      %get3A_13 = arith.constant 16 : index
      %get3A_14 = tpu.vector_load %arg18[%get3A_13] {strides = array<i32>} : memref<1024xi32, #tpu.memory_space<vmem>>, vector<16xi32>,
      %get3A_15 = vector.shape_cast %get3A_14 : vector<16xi32> to vector<16xi32>
      %jit3A_16 = arith.constant 0 : i32
      %jit3A_17 = arith.constant 20479 : i32
      %max3A_18 = vector.broadcast %jit3A_16 : i32 to vector<16xi32>
      %max3A_19 = arith.maxsi %max3A_18, %get3A_15 : vector<16xi32>
      %min3A_20 = vector.broadcast %jit3A_17 : i32 to vector<16xi32>
      %min3A_21 = arith.minsi %min3A_20, %max3A_19 : vector<16xi32>
      %swap3A_22 = arith.constant 16 : index
      %swap3A_23 = tpu.vector_load %arg18[%swap3A_22] {strides = array<i32>} : memref<1024xi32, #tpu.memory_space<vmem>>, vector<16xi32>,
      %swap3A_24 = vector.shape_cast %swap3A_23 : vector<16xi32> to vector<16xi32>
      %swap3A_25 = vector.shape_cast %min3A_21 : vector<16xi32> to vector<16xi32>
      tpu.vector_store %arg18[%swap3A_22], %swap3A_25 {strides = array<i32>} : memref<1024xi32, #tpu.memory_space<vmem>>, vector<16xi32>,
      %get3A_26 = arith.constant 32 : index
      %get3A_27 = tpu.vector_load %arg18[%get3A_26] {strides = array<i32>} : memref<1024xi32, #tpu.memory_space<vmem>>, vector<16xi32>,
      %get3A_28 = vector.shape_cast %get3A_27 : vector<16xi32> to vector<16xi32>
      %jit3A_29 = arith.constant 0 : i32
      %jit3A_30 = arith.constant 20479 : i32
      %max3A_31 = vector.broadcast %jit3A_29 : i32 to vector<16xi32>
      %max3A_32 = arith.maxsi %max3A_31, %get3A_28 : vector<16xi32>
      %min3A_33 = vector.broadcast %jit3A_30 : i32 to vector<16xi32>
      %min3A_34 = arith.minsi %min3A_33, %max3A_32 : vector<16xi32>
      %swap3A_35 = arith.constant 32 : index
      %swap3A_36 = tpu.vector_load %arg18[%swap3A_35] {strides = array<i32>} : memref<1024xi32, #tpu.memory_space<vmem>>, vector<16xi32>,
      %swap3A_37 = vector.shape_cast %swap3A_36 : vector<16xi32> to vector<16xi32>
      %swap3A_38 = vector.shape_cast %min3A_34 : vector<16xi32> to vector<16xi32>
      tpu.vector_store %arg18[%swap3A_35], %swap3A_38 {strides = array<i32>} : memref<1024xi32, #tpu.memory_space<vmem>>, vector<16xi32>,
      %get3A_39 = arith.constant 48 : index
      %get3A_40 = tpu.vector_load %arg18[%get3A_39] {strides = array<i32>} : memref<1024xi32, #tpu.memory_space<vmem>>, vector<16xi32>,
      %get3A_41 = vector.shape_cast %get3A_40 : vector<16xi32> to vector<16xi32>
      %jit3A_42 = arith.constant 0 : i32
      %jit3A_43 = arith.constant 20479 : i32
      %max3A_44 = vector.broadcast %jit3A_42 : i32 to vector<16xi32>
      %max3A_45 = arith.maxsi %max3A_44, %get3A_41 : vector<16xi32>
      %min3A_46 = vector.broadcast %jit3A_43 : i32 to vector<16xi32>
      %min3A_47 = arith.minsi %min3A_46, %max3A_45 : vector<16xi32>
      %swap3A_48 = arith.constant 48 : index
      %swap3A_49 = tpu.vector_load %arg18[%swap3A_48] {strides = array<i32>} : memref<1024xi32, #tpu.memory_space<vmem>>, vector<16xi32>,
      %swap3A_50 = vector.shape_cast %swap3A_49 : vector<16xi32> to vector<16xi32>
      %swap3A_51 = vector.shape_cast %min3A_47 : vector<16xi32> to vector<16xi32>
      tpu.vector_store %arg18[%swap3A_48], %swap3A_51 {strides = array<i32>} : memref<1024xi32, #tpu.memory_space<vmem>>, vector<16xi32>,
      %get3A_52 = arith.constant 64 : index
      %get3A_53 = tpu.vector_load %arg18[%get3A_52] {strides = array<i32>} : memref<1024xi32, #tpu.memory_space<vmem>>, vector<16xi32>,
      %get3A_54 = vector.shape_cast %get3A_53 : vector<16xi32> to vector<16xi32>
      %jit3A_55 = arith.constant 0 : i32
      %jit3A_56 = arith.constant 20479 : i32
      %max3A_57 = vector.broadcast %jit3A_55 : i32 to vector<16xi32>
      %max3A_58 = arith.maxsi %max3A_57, %get3A_54 : vector<16xi32>
      %min3A_59 = vector.broadcast %jit3A_56 : i32 to vector<16xi32>
      %min3A_60 = arith.minsi %min3A_59, %max3A_58 : vector<16xi32>
      %swap3A_61 = arith.constant 64 : index
      %swap3A_62 = tpu.vector_load %arg18[%swap3A_61] {strides = array<i32>} : memref<1024xi32, #tpu.memory_space<vmem>>, vector<16xi32>,
      %swap3A_63 = vector.shape_cast %swap3A_62 : vector<16xi32> to vector<16xi32>
      %swap3A_64 = vector.shape_cast %min3A_60 : vector<16xi32> to vector<16xi32>
      tpu.vector_store %arg18[%swap3A_61], %swap3A_64 {strides = array<i32>} : memref<1024xi32, #tpu.memory_space<vmem>>, vector<16xi32>,
      %get3A_65 = arith.constant 80 : index
      %get3A_66 = tpu.vector_load %arg18[%get3A_65] {strides = array<i32>} : memref<1024xi32, #tpu.memory_space<vmem>>, vector<16xi32>,
      %get3A_67 = vector.shape_cast %get3A_66 : vector<16xi32> to vector<16xi32>
      %jit3A_68 = arith.constant 0 : i32
      %jit3A_69 = arith.constant 20479 : i32
      %max3A_70 = vector.broadcast %jit3A_68 : i32 to vector<16xi32>
      %max3A_71 = arith.maxsi %max3A_70, %get3A_67 : vector<16xi32>
      %min3A_72 = vector.broadcast %jit3A_69 : i32 to vector<16xi32>
      %min3A_73 = arith.minsi %min3A_72, %max3A_71 : vector<16xi32>
      %swap3A_74 = arith.constant 80 : index
      %swap3A_75 = tpu.vector_load %arg18[%swap3A_74] {strides = array<i32>} : memref<1024xi32, #tpu.memory_space<vmem>>, vector<16xi32>,
      %swap3A_76 = vector.shape_cast %swap3A_75 : vector<16xi32> to vector<16xi32>
      %swap3A_77 = vector.shape_cast %min3A_73 : vector<16xi32> to vector<16xi32>
      tpu.vector_store %arg18[%swap3A_74], %swap3A_77 {strides = array<i32>} : memref<1024xi32, #tpu.memory_space<vmem>>, vector<16xi32>,
      %get3A_78 = arith.constant 96 : index
      %get3A_79 = tpu.vector_load %arg18[%get3A_78] {strides = array<i32>} : memref<1024xi32, #tpu.memory_space<vmem>>, vector<16xi32>,
      %get3A_80 = vector.shape_cast %get3A_79 : vector<16xi32> to vector<16xi32>
      %jit3A_81 = arith.constant 0 : i32
      %jit3A_82 = arith.constant 20479 : i32
      %max3A_83 = vector.broadcast %jit3A_81 : i32 to vector<16xi32>
      %max3A_84 = arith.maxsi %max3A_83, %get3A_80 : vector<16xi32>
      %min3A_85 = vector.broadcast %jit3A_82 : i32 to vector<16xi32>
      %min3A_86 = arith.minsi %min3A_85, %max3A_84 : vector<16xi32>
      %swap3A_87 = arith.constant 96 : index
      %swap3A_88 = tpu.vector_load %arg18[%swap3A_87] {strides = array<i32>} : memref<1024xi32, #tpu.memory_space<vmem>>, vector<16xi32>,
      %swap3A_89 = vector.shape_cast %swap3A_88 : vector<16xi32> to vector<16xi32>
      %swap3A_90 = vector.shape_cast %min3A_86 : vector<16xi32> to vector<16xi32>
      tpu.vector_store %arg18[%swap3A_87], %swap3A_90 {strides = array<i32>} : memref<1024xi32, #tpu.memory_space<vmem>>, vector<16xi32>,
      %get3A_91 = arith.constant 112 : index
      %get3A_92 = tpu.vector_load %arg18[%get3A_91] {strides = array<i32>} : memref<1024xi32, #tpu.memory_space<vmem>>, vector<16xi32>,
      %get3A_93 = vector.shape_cast %get3A_92 : vector<16xi32> to vector<16xi32>
      %jit3A_94 = arith.constant 0 : i32
      %jit3A_95 = arith.constant 20479 : i32
      %max3A_96 = vector.broadcast %jit3A_94 : i32 to vector<16xi32>
      %max3A_97 = arith.maxsi %max3A_96, %get3A_93 : vector<16xi32>
      %min3A_98 = vector.broadcast %jit3A_95 : i32 to vector<16xi32>
      %min3A_99 = arith.minsi %min3A_98, %max3A_97 : vector<16xi32>
      %swap3A_100 = arith.constant 112 : index
      %swap3A_101 = tpu.vector_load %arg18[%swap3A_100] {strides = array<i32>} : memref<1024xi32, #tpu.memory_space<vmem>>, vector<16xi32>,
      %swap3A_102 = vector.shape_cast %swap3A_101 : vector<16xi32> to vector<16xi32>
      %swap3A_103 = vector.shape_cast %min3A_99 : vector<16xi32> to vector<16xi32>
      tpu.vector_store %arg18[%swap3A_100], %swap3A_103 {strides = array<i32>} : memref<1024xi32, #tpu.memory_space<vmem>>, vector<16xi32>,
      %get3A_104 = arith.constant 128 : index
      %get3A_105 = tpu.vector_load %arg18[%get3A_104] {strides = array<i32>} : memref<1024xi32, #tpu.memory_space<vmem>>, vector<16xi32>,
      %get3A_106 = vector.shape_cast %get3A_105 : vector<16xi32> to vector<16xi32>
      %jit3A_107 = arith.constant 0 : i32
      %jit3A_108 = arith.constant 20479 : i32
      %max3A_109 = vector.broadcast %jit3A_107 : i32 to vector<16xi32>
      %max3A_110 = arith.maxsi %max3A_109, %get3A_106 : vector<16xi32>
      %min3A_111 = vector.broadcast %jit3A_108 : i32 to vector<16xi32>
      %min3A_112 = arith.minsi %min3A_111, %max3A_110 : vector<16xi32>
      %swap3A_113 = arith.constant 128 : index
      %swap3A_114 = tpu.vector_load %arg18[%swap3A_113] {strides = array<i32>} : memref<1024xi32, #tpu.memory_space<vmem>>, vector<16xi32>,
      %swap3A_115 = vector.shape_cast %swap3A_114 : vector<16xi32> to vector<16xi32>
      %swap3A_116 = vector.shape_cast %min3A_112 : vector<16xi32> to vector<16xi32>
      tpu.vector_store %arg18[%swap3A_113], %swap3A_116 {strides = array<i32>} : memref<1024xi32, #tpu.memory_space<vmem>>, vector<16xi32>,
      %get3A_117 = arith.constant 144 : index
      %get3A_118 = tpu.vector_load %arg18[%get3A_117] {strides = array<i32>} : memref<1024xi32, #tpu.memory_space<vmem>>, vector<16xi32>,
      %get3A_119 = vector.shape_cast %get3A_118 : vector<16xi32> to vector<16xi32>
      %jit3A_120 = arith.constant 0 : i32
      %jit3A_121 = arith.constant 20479 : i32
      %max3A_122 = vector.broadcast %jit3A_120 : i32 to vector<16xi32>
      %max3A_123 = arith.maxsi %max3A_122, %get3A_119 : vector<16xi32>
      %min3A_124 = vector.broadcast %jit3A_121 : i32 to vector<16xi32>
      %min3A_125 = arith.minsi %min3A_124, %max3A_123 : vector<16xi32>
      %swap3A_126 = arith.constant 144 : index
      %swap3A_127 = tpu.vector_load %arg18[%swap3A_126] {strides = array<i32>} : memref<1024xi32, #tpu.memory_space<vmem>>, vector<16xi32>,
      %swap3A_128 = vector.shape_cast %swap3A_127 : vector<16xi32> to vector<16xi32>
      %swap3A_129 = vector.shape_cast %min3A_125 : vector<16xi32> to vector<16xi32>
      tpu.vector_store %arg18[%swap3A_126], %swap3A_129 {strides = array<i32>} : memref<1024xi32, #tpu.memory_space<vmem>>, vector<16xi32>,
      %get3A_130 = arith.constant 160 : index
      %get3A_131 = tpu.vector_load %arg18[%get3A_130] {strides = array<i32>} : memref<1024xi32, #tpu.memory_space<vmem>>, vector<16xi32>,
      %get3A_132 = vector.shape_cast %get3A_131 : vector<16xi32> to vector<16xi32>
      %jit3A_133 = arith.constant 0 : i32
      %jit3A_134 = arith.constant 20479 : i32
      %max3A_135 = vector.broadcast %jit3A_133 : i32 to vector<16xi32>
      %max3A_136 = arith.maxsi %max3A_135, %get3A_132 : vector<16xi32>
      %min3A_137 = vector.broadcast %jit3A_134 : i32 to vector<16xi32>
      %min3A_138 = arith.minsi %min3A_137, %max3A_136 : vector<16xi32>
      %swap3A_139 = arith.constant 160 : index
      %swap3A_140 = tpu.vector_load %arg18[%swap3A_139] {strides = array<i32>} : memref<1024xi32, #tpu.memory_space<vmem>>, vector<16xi32>,
      %swap3A_141 = vector.shape_cast %swap3A_140 : vector<16xi32> to vector<16xi32>
      %swap3A_142 = vector.shape_cast %min3A_138 : vector<16xi32> to vector<16xi32>
      tpu.vector_store %arg18[%swap3A_139], %swap3A_142 {strides = array<i32>} : memref<1024xi32, #tpu.memory_space<vmem>>, vector<16xi32>,
      %get3A_143 = arith.constant 176 : index
      %get3A_144 = tpu.vector_load %arg18[%get3A_143] {strides = array<i32>} : memref<1024xi32, #tpu.memory_space<vmem>>, vector<16xi32>,
      %get3A_145 = vector.shape_cast %get3A_144 : vector<16xi32> to vector<16xi32>
      %jit3A_146 = arith.constant 0 : i32
      %jit3A_147 = arith.constant 20479 : i32
      %max3A_148 = vector.broadcast %jit3A_146 : i32 to vector<16xi32>
      %max3A_149 = arith.maxsi %max3A_148, %get3A_145 : vector<16xi32>
      %min3A_150 = vector.broadcast %jit3A_147 : i32 to vector<16xi32>
      %min3A_151 = arith.minsi %min3A_150, %max3A_149 : vector<16xi32>
      %swap3A_152 = arith.constant 176 : index
      %swap3A_153 = tpu.vector_load %arg18[%swap3A_152] {strides = array<i32>} : memref<1024xi32, #tpu.memory_space<vmem>>, vector<16xi32>,
      %swap3A_154 = vector.shape_cast %swap3A_153 : vector<16xi32> to vector<16xi32>
      %swap3A_155 = vector.shape_cast %min3A_151 : vector<16xi32> to vector<16xi32>
      tpu.vector_store %arg18[%swap3A_152], %swap3A_155 {strides = array<i32>} : memref<1024xi32, #tpu.memory_space<vmem>>, vector<16xi32>,
      %get3A_156 = arith.constant 192 : index
      %get3A_157 = tpu.vector_load %arg18[%get3A_156] {strides = array<i32>} : memref<1024xi32, #tpu.memory_space<vmem>>, vector<16xi32>,
      %get3A_158 = vector.shape_cast %get3A_157 : vector<16xi32> to vector<16xi32>
      %jit3A_159 = arith.constant 0 : i32
      %jit3A_160 = arith.constant 20479 : i32
      %max3A_161 = vector.broadcast %jit3A_159 : i32 to vector<16xi32>
      %max3A_162 = arith.maxsi %max3A_161, %get3A_158 : vector<16xi32>
      %min3A_163 = vector.broadcast %jit3A_160 : i32 to vector<16xi32>
      %min3A_164 = arith.minsi %min3A_163, %max3A_162 : vector<16xi32>
      %swap3A_165 = arith.constant 192 : index
      %swap3A_166 = tpu.vector_load %arg18[%swap3A_165] {strides = array<i32>} : memref<1024xi32, #tpu.memory_space<vmem>>, vector<16xi32>,
      %swap3A_167 = vector.shape_cast %swap3A_166 : vector<16xi32> to vector<16xi32>
      %swap3A_168 = vector.shape_cast %min3A_164 : vector<16xi32> to vector<16xi32>
      tpu.vector_store %arg18[%swap3A_165], %swap3A_168 {strides = array<i32>} : memref<1024xi32, #tpu.memory_space<vmem>>, vector<16xi32>,
      %get3A_169 = arith.constant 208 : index
      %get3A_170 = tpu.vector_load %arg18[%get3A_169] {strides = array<i32>} : memref<1024xi32, #tpu.memory_space<vmem>>, vector<16xi32>,
      %get3A_171 = vector.shape_cast %get3A_170 : vector<16xi32> to vector<16xi32>
      %jit3A_172 = arith.constant 0 : i32
      %jit3A_173 = arith.constant 20479 : i32
      %max3A_174 = vector.broadcast %jit3A_172 : i32 to vector<16xi32>
      %max3A_175 = arith.maxsi %max3A_174, %get3A_171 : vector<16xi32>
      %min3A_176 = vector.broadcast %jit3A_173 : i32 to vector<16xi32>
      %min3A_177 = arith.minsi %min3A_176, %max3A_175 : vector<16xi32>
      %swap3A_178 = arith.constant 208 : index
      %swap3A_179 = tpu.vector_load %arg18[%swap3A_178] {strides = array<i32>} : memref<1024xi32, #tpu.memory_space<vmem>>, vector<16xi32>,
      %swap3A_180 = vector.shape_cast %swap3A_179 : vector<16xi32> to vector<16xi32>
      %swap3A_181 = vector.shape_cast %min3A_177 : vector<16xi32> to vector<16xi32>
      tpu.vector_store %arg18[%swap3A_178], %swap3A_181 {strides = array<i32>} : memref<1024xi32, #tpu.memory_space<vmem>>, vector<16xi32>,
      %get3A_182 = arith.constant 224 : index
      %get3A_183 = tpu.vector_load %arg18[%get3A_182] {strides = array<i32>} : memref<1024xi32, #tpu.memory_space<vmem>>, vector<16xi32>,
      %get3A_184 = vector.shape_cast %get3A_183 : vector<16xi32> to vector<16xi32>
      %jit3A_185 = arith.constant 0 : i32
      %jit3A_186 = arith.constant 20479 : i32
      %max3A_187 = vector.broadcast %jit3A_185 : i32 to vector<16xi32>
      %max3A_188 = arith.maxsi %max3A_187, %get3A_184 : vector<16xi32>
      %min3A_189 = vector.broadcast %jit3A_186 : i32 to vector<16xi32>
      %min3A_190 = arith.minsi %min3A_189, %max3A_188 : vector<16xi32>
      %swap3A_191 = arith.constant 224 : index
      %swap3A_192 = tpu.vector_load %arg18[%swap3A_191] {strides = array<i32>} : memref<1024xi32, #tpu.memory_space<vmem>>, vector<16xi32>,
      %swap3A_193 = vector.shape_cast %swap3A_192 : vector<16xi32> to vector<16xi32>
      %swap3A_194 = vector.shape_cast %min3A_190 : vector<16xi32> to vector<16xi32>
      tpu.vector_store %arg18[%swap3A_191], %swap3A_194 {strides = array<i32>} : memref<1024xi32, #tpu.memory_space<vmem>>, vector<16xi32>,
      %get3A_195 = arith.constant 240 : index
      %get3A_196 = tpu.vector_load %arg18[%get3A_195] {strides = array<i32>} : memref<1024xi32, #tpu.memory_space<vmem>>, vector<16xi32>,
      %get3A_197 = vector.shape_cast %get3A_196 : vector<16xi32> to vector<16xi32>
      %jit3A_198 = arith.constant 0 : i32
      %jit3A_199 = arith.constant 20479 : i32
      %max3A_200 = vector.broadcast %jit3A_198 : i32 to vector<16xi32>
      %max3A_201 = arith.maxsi %max3A_200, %get3A_197 : vector<16xi32>
      %min3A_202 = vector.broadcast %jit3A_199 : i32 to vector<16xi32>
      %min3A_203 = arith.minsi %min3A_202, %max3A_201 : vector<16xi32>
      %swap3A_204 = arith.constant 240 : index
      %swap3A_205 = tpu.vector_load %arg18[%swap3A_204] {strides = array<i32>} : memref<1024xi32, #tpu.memory_space<vmem>>, vector<16xi32>,
      %swap3A_206 = vector.shape_cast %swap3A_205 : vector<16xi32> to vector<16xi32>
      %swap3A_207 = vector.shape_cast %min3A_203 : vector<16xi32> to vector<16xi32>
      tpu.vector_store %arg18[%swap3A_204], %swap3A_207 {strides = array<i32>} : memref<1024xi32, #tpu.memory_space<vmem>>, vector<16xi32>,
      %get3A_208 = arith.constant 256 : index
      %get3A_209 = tpu.vector_load %arg18[%get3A_208] {strides = array<i32>} : memref<1024xi32, #tpu.memory_space<vmem>>, vector<16xi32>,
      %get3A_210 = vector.shape_cast %get3A_209 : vector<16xi32> to vector<16xi32>
      %jit3A_211 = arith.constant 0 : i32
      %jit3A_212 = arith.constant 20479 : i32
      %max3A_213 = vector.broadcast %jit3A_211 : i32 to vector<16xi32>
      %max3A_214 = arith.maxsi %max3A_213, %get3A_210 : vector<16xi32>
      %min3A_215 = vector.broadcast %jit3A_212 : i32 to vector<16xi32>
      %min3A_216 = arith.minsi %min3A_215, %max3A_214 : vector<16xi32>
      %swap3A_217 = arith.constant 256 : index
      %swap3A_218 = tpu.vector_load %arg18[%swap3A_217] {strides = array<i32>} : memref<1024xi32, #tpu.memory_space<vmem>>, vector<16xi32>,
      %swap3A_219 = vector.shape_cast %swap3A_218 : vector<16xi32> to vector<16xi32>
      %swap3A_220 = vector.shape_cast %min3A_216 : vector<16xi32> to vector<16xi32>
      tpu.vector_store %arg18[%swap3A_217], %swap3A_220 {strides = array<i32>} : memref<1024xi32, #tpu.memory_space<vmem>>, vector<16xi32>,
      %get3A_221 = arith.constant 272 : index
      %get3A_222 = tpu.vector_load %arg18[%get3A_221] {strides = array<i32>} : memref<1024xi32, #tpu.memory_space<vmem>>, vector<16xi32>,
      %get3A_223 = vector.shape_cast %get3A_222 : vector<16xi32> to vector<16xi32>
      %jit3A_224 = arith.constant 0 : i32
      %jit3A_225 = arith.constant 20479 : i32
      %max3A_226 = vector.broadcast %jit3A_224 : i32 to vector<16xi32>
      %max3A_227 = arith.maxsi %max3A_226, %get3A_223 : vector<16xi32>
      %min3A_228 = vector.broadcast %jit3A_225 : i32 to vector<16xi32>
      %min3A_229 = arith.minsi %min3A_228, %max3A_227 : vector<16xi32>
      %swap3A_230 = arith.constant 272 : index
      %swap3A_231 = tpu.vector_load %arg18[%swap3A_230] {strides = array<i32>} : memref<1024xi32, #tpu.memory_space<vmem>>, vector<16xi32>,
      %swap3A_232 = vector.shape_cast %swap3A_231 : vector<16xi32> to vector<16xi32>
      %swap3A_233 = vector.shape_cast %min3A_229 : vector<16xi32> to vector<16xi32>
      tpu.vector_store %arg18[%swap3A_230], %swap3A_233 {strides = array<i32>} : memref<1024xi32, #tpu.memory_space<vmem>>, vector<16xi32>,
      %get3A_234 = arith.constant 288 : index
      %get3A_235 = tpu.vector_load %arg18[%get3A_234] {strides = array<i32>} : memref<1024xi32, #tpu.memory_space<vmem>>, vector<16xi32>,
      %get3A_236 = vector.shape_cast %get3A_235 : vector<16xi32> to vector<16xi32>
      %jit3A_237 = arith.constant 0 : i32
      %jit3A_238 = arith.constant 20479 : i32
      %max3A_239 = vector.broadcast %jit3A_237 : i32 to vector<16xi32>
      %max3A_240 = arith.maxsi %max3A_239, %get3A_236 : vector<16xi32>
      %min3A_241 = vector.broadcast %jit3A_238 : i32 to vector<16xi32>
      %min3A_242 = arith.minsi %min3A_241, %max3A_240 : vector<16xi32>
      %swap3A_243 = arith.constant 288 : index
      %swap3A_244 = tpu.vector_load %arg18[%swap3A_243] {strides = array<i32>} : memref<1024xi32, #tpu.memory_space<vmem>>, vector<16xi32>,
      %swap3A_245 = vector.shape_cast %swap3A_244 : vector<16xi32> to vector<16xi32>
      %swap3A_246 = vector.shape_cast %min3A_242 : vector<16xi32> to vector<16xi32>
      tpu.vector_store %arg18[%swap3A_243], %swap3A_246 {strides = array<i32>} : memref<1024xi32, #tpu.memory_space<vmem>>, vector<16xi32>,
      %get3A_247 = arith.constant 304 : index
      %get3A_248 = tpu.vector_load %arg18[%get3A_247] {strides = array<i32>} : memref<1024xi32, #tpu.memory_space<vmem>>, vector<16xi32>,
      %get3A_249 = vector.shape_cast %get3A_248 : vector<16xi32> to vector<16xi32>
      %jit3A_250 = arith.constant 0 : i32
      %jit3A_251 = arith.constant 20479 : i32
      %max3A_252 = vector.broadcast %jit3A_250 : i32 to vector<16xi32>
      %max3A_253 = arith.maxsi %max3A_252, %get3A_249 : vector<16xi32>
      %min3A_254 = vector.broadcast %jit3A_251 : i32 to vector<16xi32>
      %min3A_255 = arith.minsi %min3A_254, %max3A_253 : vector<16xi32>
      %swap3A_256 = arith.constant 304 : index
      %swap3A_257 = tpu.vector_load %arg18[%swap3A_256] {strides = array<i32>} : memref<1024xi32, #tpu.memory_space<vmem>>, vector<16xi32>,
      %swap3A_258 = vector.shape_cast %swap3A_257 : vector<16xi32> to vector<16xi32>
      %swap3A_259 = vector.shape_cast %min3A_255 : vector<16xi32> to vector<16xi32>
      tpu.vector_store %arg18[%swap3A_256], %swap3A_259 {strides = array<i32>} : memref<1024xi32, #tpu.memory_space<vmem>>, vector<16xi32>,
      %get3A_260 = arith.constant 320 : index
      %get3A_261 = tpu.vector_load %arg18[%get3A_260] {strides = array<i32>} : memref<1024xi32, #tpu.memory_space<vmem>>, vector<16xi32>,
      %get3A_262 = vector.shape_cast %get3A_261 : vector<16xi32> to vector<16xi32>
      %jit3A_263 = arith.constant 0 : i32
      %jit3A_264 = arith.constant 20479 : i32
      %max3A_265 = vector.broadcast %jit3A_263 : i32 to vector<16xi32>
      %max3A_266 = arith.maxsi %max3A_265, %get3A_262 : vector<16xi32>
      %min3A_267 = vector.broadcast %jit3A_264 : i32 to vector<16xi32>
      %min3A_268 = arith.minsi %min3A_267, %max3A_266 : vector<16xi32>
      %swap3A_269 = arith.constant 320 : index
      %swap3A_270 = tpu.vector_load %arg18[%swap3A_269] {strides = array<i32>} : memref<1024xi32, #tpu.memory_space<vmem>>, vector<16xi32>,
      %swap3A_271 = vector.shape_cast %swap3A_270 : vector<16xi32> to vector<16xi32>
      %swap3A_272 = vector.shape_cast %min3A_268 : vector<16xi32> to vector<16xi32>
      tpu.vector_store %arg18[%swap3A_269], %swap3A_272 {strides = array<i32>} : memref<1024xi32, #tpu.memory_space<vmem>>, vector<16xi32>,
      %get3A_273 = arith.constant 336 : index
      %get3A_274 = tpu.vector_load %arg18[%get3A_273] {strides = array<i32>} : memref<1024xi32, #tpu.memory_space<vmem>>, vector<16xi32>,
      %get3A_275 = vector.shape_cast %get3A_274 : vector<16xi32> to vector<16xi32>
      %jit3A_276 = arith.constant 0 : i32
      %jit3A_277 = arith.constant 20479 : i32
      %max3A_278 = vector.broadcast %jit3A_276 : i32 to vector<16xi32>
      %max3A_279 = arith.maxsi %max3A_278, %get3A_275 : vector<16xi32>
      %min3A_280 = vector.broadcast %jit3A_277 : i32 to vector<16xi32>
      %min3A_281 = arith.minsi %min3A_280, %max3A_279 : vector<16xi32>
      %swap3A_282 = arith.constant 336 : index
      %swap3A_283 = tpu.vector_load %arg18[%swap3A_282] {strides = array<i32>} : memref<1024xi32, #tpu.memory_space<vmem>>, vector<16xi32>,
      %swap3A_284 = vector.shape_cast %swap3A_283 : vector<16xi32> to vector<16xi32>
      %swap3A_285 = vector.shape_cast %min3A_281 : vector<16xi32> to vector<16xi32>
      tpu.vector_store %arg18[%swap3A_282], %swap3A_285 {strides = array<i32>} : memref<1024xi32, #tpu.memory_space<vmem>>, vector<16xi32>,
      %get3A_286 = arith.constant 352 : index
      %get3A_287 = tpu.vector_load %arg18[%get3A_286] {strides = array<i32>} : memref<1024xi32, #tpu.memory_space<vmem>>, vector<16xi32>,
      %get3A_288 = vector.shape_cast %get3A_287 : vector<16xi32> to vector<16xi32>
      %jit3A_289 = arith.constant 0 : i32
      %jit3A_290 = arith.constant 20479 : i32
      %max3A_291 = vector.broadcast %jit3A_289 : i32 to vector<16xi32>
      %max3A_292 = arith.maxsi %max3A_291, %get3A_288 : vector<16xi32>
      %min3A_293 = vector.broadcast %jit3A_290 : i32 to vector<16xi32>
      %min3A_294 = arith.minsi %min3A_293, %max3A_292 : vector<16xi32>
      %swap3A_295 = arith.constant 352 : index
      %swap3A_296 = tpu.vector_load %arg18[%swap3A_295] {strides = array<i32>} : memref<1024xi32, #tpu.memory_space<vmem>>, vector<16xi32>,
      %swap3A_297 = vector.shape_cast %swap3A_296 : vector<16xi32> to vector<16xi32>
      %swap3A_298 = vector.shape_cast %min3A_294 : vector<16xi32> to vector<16xi32>
      tpu.vector_store %arg18[%swap3A_295], %swap3A_298 {strides = array<i32>} : memref<1024xi32, #tpu.memory_space<vmem>>, vector<16xi32>,
      %get3A_299 = arith.constant 368 : index
      %get3A_300 = tpu.vector_load %arg18[%get3A_299] {strides = array<i32>} : memref<1024xi32, #tpu.memory_space<vmem>>, vector<16xi32>,
      %get3A_301 = vector.shape_cast %get3A_300 : vector<16xi32> to vector<16xi32>
      %jit3A_302 = arith.constant 0 : i32
      %jit3A_303 = arith.constant 20479 : i32
      %max3A_304 = vector.broadcast %jit3A_302 : i32 to vector<16xi32>
      %max3A_305 = arith.maxsi %max3A_304, %get3A_301 : vector<16xi32>
      %min3A_306 = vector.broadcast %jit3A_303 : i32 to vector<16xi32>
      %min3A_307 = arith.minsi %min3A_306, %max3A_305 : vector<16xi32>
      %swap3A_308 = arith.constant 368 : index
      %swap3A_309 = tpu.vector_load %arg18[%swap3A_308] {strides = array<i32>} : memref<1024xi32, #tpu.memory_space<vmem>>, vector<16xi32>,
      %swap3A_310 = vector.shape_cast %swap3A_309 : vector<16xi32> to vector<16xi32>
      %swap3A_311 = vector.shape_cast %min3A_307 : vector<16xi32> to vector<16xi32>
      tpu.vector_store %arg18[%swap3A_308], %swap3A_311 {strides = array<i32>} : memref<1024xi32, #tpu.memory_space<vmem>>, vector<16xi32>,
      %get3A_312 = arith.constant 384 : index
      %get3A_313 = tpu.vector_load %arg18[%get3A_312] {strides = array<i32>} : memref<1024xi32, #tpu.memory_space<vmem>>, vector<16xi32>,
      %get3A_314 = vector.shape_cast %get3A_313 : vector<16xi32> to vector<16xi32>
      %jit3A_315 = arith.constant 0 : i32
      %jit3A_316 = arith.constant 20479 : i32
      %max3A_317 = vector.broadcast %jit3A_315 : i32 to vector<16xi32>
      %max3A_318 = arith.maxsi %max3A_317, %get3A_314 : vector<16xi32>
      %min3A_319 = vector.broadcast %jit3A_316 : i32 to vector<16xi32>
      %min3A_320 = arith.minsi %min3A_319, %max3A_318 : vector<16xi32>
      %swap3A_321 = arith.constant 384 : index
      %swap3A_322 = tpu.vector_load %arg18[%swap3A_321] {strides = array<i32>} : memref<1024xi32, #tpu.memory_space<vmem>>, vector<16xi32>,
      %swap3A_323 = vector.shape_cast %swap3A_322 : vector<16xi32> to vector<16xi32>
      %swap3A_324 = vector.shape_cast %min3A_320 : vector<16xi32> to vector<16xi32>
      tpu.vector_store %arg18[%swap3A_321], %swap3A_324 {strides = array<i32>} : memref<1024xi32, #tpu.memory_space<vmem>>, vector<16xi32>,
      %get3A_325 = arith.constant 400 : index
      %get3A_326 = tpu.vector_load %arg18[%get3A_325] {strides = array<i32>} : memref<1024xi32, #tpu.memory_space<vmem>>, vector<16xi32>,
      %get3A_327 = vector.shape_cast %get3A_326 : vector<16xi32> to vector<16xi32>
      %jit3A_328 = arith.constant 0 : i32
      %jit3A_329 = arith.constant 20479 : i32
      %max3A_330 = vector.broadcast %jit3A_328 : i32 to vector<16xi32>
      %max3A_331 = arith.maxsi %max3A_330, %get3A_327 : vector<16xi32>
      %min3A_332 = vector.broadcast %jit3A_329 : i32 to vector<16xi32>
      %min3A_333 = arith.minsi %min3A_332, %max3A_331 : vector<16xi32>
      %swap3A_334 = arith.constant 400 : index
      %swap3A_335 = tpu.vector_load %arg18[%swap3A_334] {strides = array<i32>} : memref<1024xi32, #tpu.memory_space<vmem>>, vector<16xi32>,
      %swap3A_336 = vector.shape_cast %swap3A_335 : vector<16xi32> to vector<16xi32>
      %swap3A_337 = vector.shape_cast %min3A_333 : vector<16xi32> to vector<16xi32>
      tpu.vector_store %arg18[%swap3A_334], %swap3A_337 {strides = array<i32>} : memref<1024xi32, #tpu.memory_space<vmem>>, vector<16xi32>,
      %get3A_338 = arith.constant 416 : index
      %get3A_339 = tpu.vector_load %arg18[%get3A_338] {strides = array<i32>} : memref<1024xi32, #tpu.memory_space<vmem>>, vector<16xi32>,
      %get3A_340 = vector.shape_cast %get3A_339 : vector<16xi32> to vector<16xi32>
      %jit3A_341 = arith.constant 0 : i32
      %jit3A_342 = arith.constant 20479 : i32
      %max3A_343 = vector.broadcast %jit3A_341 : i32 to vector<16xi32>
      %max3A_344 = arith.maxsi %max3A_343, %get3A_340 : vector<16xi32>
      %min3A_345 = vector.broadcast %jit3A_342 : i32 to vector<16xi32>
      %min3A_346 = arith.minsi %min3A_345, %max3A_344 : vector<16xi32>
      %swap3A_347 = arith.constant 416 : index
      %swap3A_348 = tpu.vector_load %arg18[%swap3A_347] {strides = array<i32>} : memref<1024xi32, #tpu.memory_space<vmem>>, vector<16xi32>,
      %swap3A_349 = vector.shape_cast %swap3A_348 : vector<16xi32> to vector<16xi32>
      %swap3A_350 = vector.shape_cast %min3A_346 : vector<16xi32> to vector<16xi32>
      tpu.vector_store %arg18[%swap3A_347], %swap3A_350 {strides = array<i32>} : memref<1024xi32, #tpu.memory_space<vmem>>, vector<16xi32>,
      %get3A_351 = arith.constant 432 : index
      %get3A_352 = tpu.vector_load %arg18[%get3A_351] {strides = array<i32>} : memref<1024xi32, #tpu.memory_space<vmem>>, vector<16xi32>,
      %get3A_353 = vector.shape_cast %get3A_352 : vector<16xi32> to vector<16xi32>
      %jit3A_354 = arith.constant 0 : i32
      %jit3A_355 = arith.constant 20479 : i32
      %max3A_356 = vector.broadcast %jit3A_354 : i32 to vector<16xi32>
      %max3A_357 = arith.maxsi %max3A_356, %get3A_353 : vector<16xi32>
      %min3A_358 = vector.broadcast %jit3A_355 : i32 to vector<16xi32>
      %min3A_359 = arith.minsi %min3A_358, %max3A_357 : vector<16xi32>
      %swap3A_360 = arith.constant 432 : index
      %swap3A_361 = tpu.vector_load %arg18[%swap3A_360] {strides = array<i32>} : memref<1024xi32, #tpu.memory_space<vmem>>, vector<16xi32>,
      %swap3A_362 = vector.shape_cast %swap3A_361 : vector<16xi32> to vector<16xi32>
      %swap3A_363 = vector.shape_cast %min3A_359 : vector<16xi32> to vector<16xi32>
      tpu.vector_store %arg18[%swap3A_360], %swap3A_363 {strides = array<i32>} : memref<1024xi32, #tpu.memory_space<vmem>>, vector<16xi32>,
      %get3A_364 = arith.constant 448 : index
      %get3A_365 = tpu.vector_load %arg18[%get3A_364] {strides = array<i32>} : memref<1024xi32, #tpu.memory_space<vmem>>, vector<16xi32>,
      %get3A_366 = vector.shape_cast %get3A_365 : vector<16xi32> to vector<16xi32>
      %jit3A_367 = arith.constant 0 : i32
      %jit3A_368 = arith.constant 20479 : i32
      %max3A_369 = vector.broadcast %jit3A_367 : i32 to vector<16xi32>
      %max3A_370 = arith.maxsi %max3A_369, %get3A_366 : vector<16xi32>
      %min3A_371 = vector.broadcast %jit3A_368 : i32 to vector<16xi32>
      %min3A_372 = arith.minsi %min3A_371, %max3A_370 : vector<16xi32>
      %swap3A_373 = arith.constant 448 : index
      %swap3A_374 = tpu.vector_load %arg18[%swap3A_373] {strides = array<i32>} : memref<1024xi32, #tpu.memory_space<vmem>>, vector<16xi32>,
      %swap3A_375 = vector.shape_cast %swap3A_374 : vector<16xi32> to vector<16xi32>
      %swap3A_376 = vector.shape_cast %min3A_372 : vector<16xi32> to vector<16xi32>
      tpu.vector_store %arg18[%swap3A_373], %swap3A_376 {strides = array<i32>} : memref<1024xi32, #tpu.memory_space<vmem>>, vector<16xi32>,
      %get3A_377 = arith.constant 464 : index
      %get3A_378 = tpu.vector_load %arg18[%get3A_377] {strides = array<i32>} : memref<1024xi32, #tpu.memory_space<vmem>>, vector<16xi32>,
      %get3A_379 = vector.shape_cast %get3A_378 : vector<16xi32> to vector<16xi32>
      %jit3A_380 = arith.constant 0 : i32
      %jit3A_381 = arith.constant 20479 : i32
      %max3A_382 = vector.broadcast %jit3A_380 : i32 to vector<16xi32>
      %max3A_383 = arith.maxsi %max3A_382, %get3A_379 : vector<16xi32>
      %min3A_384 = vector.broadcast %jit3A_381 : i32 to vector<16xi32>
      %min3A_385 = arith.minsi %min3A_384, %max3A_383 : vector<16xi32>
      %swap3A_386 = arith.constant 464 : index
      %swap3A_387 = tpu.vector_load %arg18[%swap3A_386] {strides = array<i32>} : memref<1024xi32, #tpu.memory_space<vmem>>, vector<16xi32>,
      %swap3A_388 = vector.shape_cast %swap3A_387 : vector<16xi32> to vector<16xi32>
      %swap3A_389 = vector.shape_cast %min3A_385 : vector<16xi32> to vector<16xi32>
      tpu.vector_store %arg18[%swap3A_386], %swap3A_389 {strides = array<i32>} : memref<1024xi32, #tpu.memory_space<vmem>>, vector<16xi32>,
      %get3A_390 = arith.constant 480 : index
      %get3A_391 = tpu.vector_load %arg18[%get3A_390] {strides = array<i32>} : memref<1024xi32, #tpu.memory_space<vmem>>, vector<16xi32>,
      %get3A_392 = vector.shape_cast %get3A_391 : vector<16xi32> to vector<16xi32>
      %jit3A_393 = arith.constant 0 : i32
      %jit3A_394 = arith.constant 20479 : i32
      %max3A_395 = vector.broadcast %jit3A_393 : i32 to vector<16xi32>
      %max3A_396 = arith.maxsi %max3A_395, %get3A_392 : vector<16xi32>
      %min3A_397 = vector.broadcast %jit3A_394 : i32 to vector<16xi32>
      %min3A_398 = arith.minsi %min3A_397, %max3A_396 : vector<16xi32>
      %swap3A_399 = arith.constant 480 : index
      %swap3A_400 = tpu.vector_load %arg18[%swap3A_399] {strides = array<i32>} : memref<1024xi32, #tpu.memory_space<vmem>>, vector<16xi32>,
      %swap3A_401 = vector.shape_cast %swap3A_400 : vector<16xi32> to vector<16xi32>
      %swap3A_402 = vector.shape_cast %min3A_398 : vector<16xi32> to vector<16xi32>
      tpu.vector_store %arg18[%swap3A_399], %swap3A_402 {strides = array<i32>} : memref<1024xi32, #tpu.memory_space<vmem>>, vector<16xi32>,
      %get3A_403 = arith.constant 496 : index
      %get3A_404 = tpu.vector_load %arg18[%get3A_403] {strides = array<i32>} : memref<1024xi32, #tpu.memory_space<vmem>>, vector<16xi32>,
      %get3A_405 = vector.shape_cast %get3A_404 : vector<16xi32> to vector<16xi32>
      %jit3A_406 = arith.constant 0 : i32
      %jit3A_407 = arith.constant 20479 : i32
      %max3A_408 = vector.broadcast %jit3A_406 : i32 to vector<16xi32>
      %max3A_409 = arith.maxsi %max3A_408, %get3A_405 : vector<16xi32>
      %min3A_410 = vector.broadcast %jit3A_407 : i32 to vector<16xi32>
      %min3A_411 = arith.minsi %min3A_410, %max3A_409 : vector<16xi32>
      %swap3A_412 = arith.constant 496 : index
      %swap3A_413 = tpu.vector_load %arg18[%swap3A_412] {strides = array<i32>} : memref<1024xi32, #tpu.memory_space<vmem>>, vector<16xi32>,
      %swap3A_414 = vector.shape_cast %swap3A_413 : vector<16xi32> to vector<16xi32>
      %swap3A_415 = vector.shape_cast %min3A_411 : vector<16xi32> to vector<16xi32>
      tpu.vector_store %arg18[%swap3A_412], %swap3A_415 {strides = array<i32>} : memref<1024xi32, #tpu.memory_space<vmem>>, vector<16xi32>,
      %get3A_416 = arith.constant 512 : index
      %get3A_417 = tpu.vector_load %arg18[%get3A_416] {strides = array<i32>} : memref<1024xi32, #tpu.memory_space<vmem>>, vector<16xi32>,
      %get3A_418 = vector.shape_cast %get3A_417 : vector<16xi32> to vector<16xi32>
      %jit3A_419 = arith.constant 0 : i32
      %jit3A_420 = arith.constant 20479 : i32
      %max3A_421 = vector.broadcast %jit3A_419 : i32 to vector<16xi32>
      %max3A_422 = arith.maxsi %max3A_421, %get3A_418 : vector<16xi32>
      %min3A_423 = vector.broadcast %jit3A_420 : i32 to vector<16xi32>
      %min3A_424 = arith.minsi %min3A_423, %max3A_422 : vector<16xi32>
      %swap3A_425 = arith.constant 512 : index
      %swap3A_426 = tpu.vector_load %arg18[%swap3A_425] {strides = array<i32>} : memref<1024xi32, #tpu.memory_space<vmem>>, vector<16xi32>,
      %swap3A_427 = vector.shape_cast %swap3A_426 : vector<16xi32> to vector<16xi32>
      %swap3A_428 = vector.shape_cast %min3A_424 : vector<16xi32> to vector<16xi32>
      tpu.vector_store %arg18[%swap3A_425], %swap3A_428 {strides = array<i32>} : memref<1024xi32, #tpu.memory_space<vmem>>, vector<16xi32>,
      %get3A_429 = arith.constant 528 : index
      %get3A_430 = tpu.vector_load %arg18[%get3A_429] {strides = array<i32>} : memref<1024xi32, #tpu.memory_space<vmem>>, vector<16xi32>,
      %get3A_431 = vector.shape_cast %get3A_430 : vector<16xi32> to vector<16xi32>
      %jit3A_432 = arith.constant 0 : i32
      %jit3A_433 = arith.constant 20479 : i32
      %max3A_434 = vector.broadcast %jit3A_432 : i32 to vector<16xi32>
      %max3A_435 = arith.maxsi %max3A_434, %get3A_431 : vector<16xi32>
      %min3A_436 = vector.broadcast %jit3A_433 : i32 to vector<16xi32>
      %min3A_437 = arith.minsi %min3A_436, %max3A_435 : vector<16xi32>
      %swap3A_438 = arith.constant 528 : index
      %swap3A_439 = tpu.vector_load %arg18[%swap3A_438] {strides = array<i32>} : memref<1024xi32, #tpu.memory_space<vmem>>, vector<16xi32>,
      %swap3A_440 = vector.shape_cast %swap3A_439 : vector<16xi32> to vector<16xi32>
      %swap3A_441 = vector.shape_cast %min3A_437 : vector<16xi32> to vector<16xi32>
      tpu.vector_store %arg18[%swap3A_438], %swap3A_441 {strides = array<i32>} : memref<1024xi32, #tpu.memory_space<vmem>>, vector<16xi32>,
      %get3A_442 = arith.constant 544 : index
      %get3A_443 = tpu.vector_load %arg18[%get3A_442] {strides = array<i32>} : memref<1024xi32, #tpu.memory_space<vmem>>, vector<16xi32>,
      %get3A_444 = vector.shape_cast %get3A_443 : vector<16xi32> to vector<16xi32>
      %jit3A_445 = arith.constant 0 : i32
      %jit3A_446 = arith.constant 20479 : i32
      %max3A_447 = vector.broadcast %jit3A_445 : i32 to vector<16xi32>
      %max3A_448 = arith.maxsi %max3A_447, %get3A_444 : vector<16xi32>
      %min3A_449 = vector.broadcast %jit3A_446 : i32 to vector<16xi32>
      %min3A_450 = arith.minsi %min3A_449, %max3A_448 : vector<16xi32>
      %swap3A_451 = arith.constant 544 : index
      %swap3A_452 = tpu.vector_load %arg18[%swap3A_451] {strides = array<i32>} : memref<1024xi32, #tpu.memory_space<vmem>>, vector<16xi32>,
      %swap3A_453 = vector.shape_cast %swap3A_452 : vector<16xi32> to vector<16xi32>
      %swap3A_454 = vector.shape_cast %min3A_450 : vector<16xi32> to vector<16xi32>
      tpu.vector_store %arg18[%swap3A_451], %swap3A_454 {strides = array<i32>} : memref<1024xi32, #tpu.memory_space<vmem>>, vector<16xi32>,
      %get3A_455 = arith.constant 560 : index
      %get3A_456 = tpu.vector_load %arg18[%get3A_455] {strides = array<i32>} : memref<1024xi32, #tpu.memory_space<vmem>>, vector<16xi32>,
      %get3A_457 = vector.shape_cast %get3A_456 : vector<16xi32> to vector<16xi32>
      %jit3A_458 = arith.constant 0 : i32
      %jit3A_459 = arith.constant 20479 : i32
      %max3A_460 = vector.broadcast %jit3A_458 : i32 to vector<16xi32>
      %max3A_461 = arith.maxsi %max3A_460, %get3A_457 : vector<16xi32>
      %min3A_462 = vector.broadcast %jit3A_459 : i32 to vector<16xi32>
      %min3A_463 = arith.minsi %min3A_462, %max3A_461 : vector<16xi32>
      %swap3A_464 = arith.constant 560 : index
      %swap3A_465 = tpu.vector_load %arg18[%swap3A_464] {strides = array<i32>} : memref<1024xi32, #tpu.memory_space<vmem>>, vector<16xi32>,
      %swap3A_466 = vector.shape_cast %swap3A_465 : vector<16xi32> to vector<16xi32>
      %swap3A_467 = vector.shape_cast %min3A_463 : vector<16xi32> to vector<16xi32>
      tpu.vector_store %arg18[%swap3A_464], %swap3A_467 {strides = array<i32>} : memref<1024xi32, #tpu.memory_space<vmem>>, vector<16xi32>,
      %get3A_468 = arith.constant 576 : index
      %get3A_469 = tpu.vector_load %arg18[%get3A_468] {strides = array<i32>} : memref<1024xi32, #tpu.memory_space<vmem>>, vector<16xi32>,
      %get3A_470 = vector.shape_cast %get3A_469 : vector<16xi32> to vector<16xi32>
      %jit3A_471 = arith.constant 0 : i32
      %jit3A_472 = arith.constant 20479 : i32
      %max3A_473 = vector.broadcast %jit3A_471 : i32 to vector<16xi32>
      %max3A_474 = arith.maxsi %max3A_473, %get3A_470 : vector<16xi32>
      %min3A_475 = vector.broadcast %jit3A_472 : i32 to vector<16xi32>
      %min3A_476 = arith.minsi %min3A_475, %max3A_474 : vector<16xi32>
      %swap3A_477 = arith.constant 576 : index
      %swap3A_478 = tpu.vector_load %arg18[%swap3A_477] {strides = array<i32>} : memref<1024xi32, #tpu.memory_space<vmem>>, vector<16xi32>,
      %swap3A_479 = vector.shape_cast %swap3A_478 : vector<16xi32> to vector<16xi32>
      %swap3A_480 = vector.shape_cast %min3A_476 : vector<16xi32> to vector<16xi32>
      tpu.vector_store %arg18[%swap3A_477], %swap3A_480 {strides = array<i32>} : memref<1024xi32, #tpu.memory_space<vmem>>, vector<16xi32>,
      %get3A_481 = arith.constant 592 : index
      %get3A_482 = tpu.vector_load %arg18[%get3A_481] {strides = array<i32>} : memref<1024xi32, #tpu.memory_space<vmem>>, vector<16xi32>,
      %get3A_483 = vector.shape_cast %get3A_482 : vector<16xi32> to vector<16xi32>
      %jit3A_484 = arith.constant 0 : i32
      %jit3A_485 = arith.constant 20479 : i32
      %max3A_486 = vector.broadcast %jit3A_484 : i32 to vector<16xi32>
      %max3A_487 = arith.maxsi %max3A_486, %get3A_483 : vector<16xi32>
      %min3A_488 = vector.broadcast %jit3A_485 : i32 to vector<16xi32>
      %min3A_489 = arith.minsi %min3A_488, %max3A_487 : vector<16xi32>
      %swap3A_490 = arith.constant 592 : index
      %swap3A_491 = tpu.vector_load %arg18[%swap3A_490] {strides = array<i32>} : memref<1024xi32, #tpu.memory_space<vmem>>, vector<16xi32>,
      %swap3A_492 = vector.shape_cast %swap3A_491 : vector<16xi32> to vector<16xi32>
      %swap3A_493 = vector.shape_cast %min3A_489 : vector<16xi32> to vector<16xi32>
      tpu.vector_store %arg18[%swap3A_490], %swap3A_493 {strides = array<i32>} : memref<1024xi32, #tpu.memory_space<vmem>>, vector<16xi32>,
      %get3A_494 = arith.constant 608 : index
      %get3A_495 = tpu.vector_load %arg18[%get3A_494] {strides = array<i32>} : memref<1024xi32, #tpu.memory_space<vmem>>, vector<16xi32>,
      %get3A_496 = vector.shape_cast %get3A_495 : vector<16xi32> to vector<16xi32>
      %jit3A_497 = arith.constant 0 : i32
      %jit3A_498 = arith.constant 20479 : i32
      %max3A_499 = vector.broadcast %jit3A_497 : i32 to vector<16xi32>
      %max3A_500 = arith.maxsi %max3A_499, %get3A_496 : vector<16xi32>
      %min3A_501 = vector.broadcast %jit3A_498 : i32 to vector<16xi32>
      %min3A_502 = arith.minsi %min3A_501, %max3A_500 : vector<16xi32>
      %swap3A_503 = arith.constant 608 : index
      %swap3A_504 = tpu.vector_load %arg18[%swap3A_503] {strides = array<i32>} : memref<1024xi32, #tpu.memory_space<vmem>>, vector<16xi32>,
      %swap3A_505 = vector.shape_cast %swap3A_504 : vector<16xi32> to vector<16xi32>
      %swap3A_506 = vector.shape_cast %min3A_502 : vector<16xi32> to vector<16xi32>
      tpu.vector_store %arg18[%swap3A_503], %swap3A_506 {strides = array<i32>} : memref<1024xi32, #tpu.memory_space<vmem>>, vector<16xi32>,
      %get3A_507 = arith.constant 624 : index
      %get3A_508 = tpu.vector_load %arg18[%get3A_507] {strides = array<i32>} : memref<1024xi32, #tpu.memory_space<vmem>>, vector<16xi32>,
      %get3A_509 = vector.shape_cast %get3A_508 : vector<16xi32> to vector<16xi32>
      %jit3A_510 = arith.constant 0 : i32
      %jit3A_511 = arith.constant 20479 : i32
      %max3A_512 = vector.broadcast %jit3A_510 : i32 to vector<16xi32>
      %max3A_513 = arith.maxsi %max3A_512, %get3A_509 : vector<16xi32>
      %min3A_514 = vector.broadcast %jit3A_511 : i32 to vector<16xi32>
      %min3A_515 = arith.minsi %min3A_514, %max3A_513 : vector<16xi32>
      %swap3A_516 = arith.constant 624 : index
      %swap3A_517 = tpu.vector_load %arg18[%swap3A_516] {strides = array<i32>} : memref<1024xi32, #tpu.memory_space<vmem>>, vector<16xi32>,
      %swap3A_518 = vector.shape_cast %swap3A_517 : vector<16xi32> to vector<16xi32>
      %swap3A_519 = vector.shape_cast %min3A_515 : vector<16xi32> to vector<16xi32>
      tpu.vector_store %arg18[%swap3A_516], %swap3A_519 {strides = array<i32>} : memref<1024xi32, #tpu.memory_space<vmem>>, vector<16xi32>,
      %get3A_520 = arith.constant 640 : index
      %get3A_521 = tpu.vector_load %arg18[%get3A_520] {strides = array<i32>} : memref<1024xi32, #tpu.memory_space<vmem>>, vector<16xi32>,
      %get3A_522 = vector.shape_cast %get3A_521 : vector<16xi32> to vector<16xi32>
      %jit3A_523 = arith.constant 0 : i32
      %jit3A_524 = arith.constant 20479 : i32
      %max3A_525 = vector.broadcast %jit3A_523 : i32 to vector<16xi32>
      %max3A_526 = arith.maxsi %max3A_525, %get3A_522 : vector<16xi32>
      %min3A_527 = vector.broadcast %jit3A_524 : i32 to vector<16xi32>
      %min3A_528 = arith.minsi %min3A_527, %max3A_526 : vector<16xi32>
      %swap3A_529 = arith.constant 640 : index
      %swap3A_530 = tpu.vector_load %arg18[%swap3A_529] {strides = array<i32>} : memref<1024xi32, #tpu.memory_space<vmem>>, vector<16xi32>,
      %swap3A_531 = vector.shape_cast %swap3A_530 : vector<16xi32> to vector<16xi32>
      %swap3A_532 = vector.shape_cast %min3A_528 : vector<16xi32> to vector<16xi32>
      tpu.vector_store %arg18[%swap3A_529], %swap3A_532 {strides = array<i32>} : memref<1024xi32, #tpu.memory_space<vmem>>, vector<16xi32>,
      %get3A_533 = arith.constant 656 : index
      %get3A_534 = tpu.vector_load %arg18[%get3A_533] {strides = array<i32>} : memref<1024xi32, #tpu.memory_space<vmem>>, vector<16xi32>,
      %get3A_535 = vector.shape_cast %get3A_534 : vector<16xi32> to vector<16xi32>
      %jit3A_536 = arith.constant 0 : i32
      %jit3A_537 = arith.constant 20479 : i32
      %max3A_538 = vector.broadcast %jit3A_536 : i32 to vector<16xi32>
      %max3A_539 = arith.maxsi %max3A_538, %get3A_535 : vector<16xi32>
      %min3A_540 = vector.broadcast %jit3A_537 : i32 to vector<16xi32>
      %min3A_541 = arith.minsi %min3A_540, %max3A_539 : vector<16xi32>
      %swap3A_542 = arith.constant 656 : index
      %swap3A_543 = tpu.vector_load %arg18[%swap3A_542] {strides = array<i32>} : memref<1024xi32, #tpu.memory_space<vmem>>, vector<16xi32>,
      %swap3A_544 = vector.shape_cast %swap3A_543 : vector<16xi32> to vector<16xi32>
      %swap3A_545 = vector.shape_cast %min3A_541 : vector<16xi32> to vector<16xi32>
      tpu.vector_store %arg18[%swap3A_542], %swap3A_545 {strides = array<i32>} : memref<1024xi32, #tpu.memory_space<vmem>>, vector<16xi32>,
      %get3A_546 = arith.constant 672 : index
      %get3A_547 = tpu.vector_load %arg18[%get3A_546] {strides = array<i32>} : memref<1024xi32, #tpu.memory_space<vmem>>, vector<16xi32>,
      %get3A_548 = vector.shape_cast %get3A_547 : vector<16xi32> to vector<16xi32>
      %jit3A_549 = arith.constant 0 : i32
      %jit3A_550 = arith.constant 20479 : i32
      %max3A_551 = vector.broadcast %jit3A_549 : i32 to vector<16xi32>
      %max3A_552 = arith.maxsi %max3A_551, %get3A_548 : vector<16xi32>
      %min3A_553 = vector.broadcast %jit3A_550 : i32 to vector<16xi32>
      %min3A_554 = arith.minsi %min3A_553, %max3A_552 : vector<16xi32>
      %swap3A_555 = arith.constant 672 : index
      %swap3A_556 = tpu.vector_load %arg18[%swap3A_555] {strides = array<i32>} : memref<1024xi32, #tpu.memory_space<vmem>>, vector<16xi32>,
      %swap3A_557 = vector.shape_cast %swap3A_556 : vector<16xi32> to vector<16xi32>
      %swap3A_558 = vector.shape_cast %min3A_554 : vector<16xi32> to vector<16xi32>
      tpu.vector_store %arg18[%swap3A_555], %swap3A_558 {strides = array<i32>} : memref<1024xi32, #tpu.memory_space<vmem>>, vector<16xi32>,
      %get3A_559 = arith.constant 688 : index
      %get3A_560 = tpu.vector_load %arg18[%get3A_559] {strides = array<i32>} : memref<1024xi32, #tpu.memory_space<vmem>>, vector<16xi32>,
      %get3A_561 = vector.shape_cast %get3A_560 : vector<16xi32> to vector<16xi32>
      %jit3A_562 = arith.constant 0 : i32
      %jit3A_563 = arith.constant 20479 : i32
      %max3A_564 = vector.broadcast %jit3A_562 : i32 to vector<16xi32>
      %max3A_565 = arith.maxsi %max3A_564, %get3A_561 : vector<16xi32>
      %min3A_566 = vector.broadcast %jit3A_563 : i32 to vector<16xi32>
      %min3A_567 = arith.minsi %min3A_566, %max3A_565 : vector<16xi32>
      %swap3A_568 = arith.constant 688 : index
      %swap3A_569 = tpu.vector_load %arg18[%swap3A_568] {strides = array<i32>} : memref<1024xi32, #tpu.memory_space<vmem>>, vector<16xi32>,
      %swap3A_570 = vector.shape_cast %swap3A_569 : vector<16xi32> to vector<16xi32>
      %swap3A_571 = vector.shape_cast %min3A_567 : vector<16xi32> to vector<16xi32>
      tpu.vector_store %arg18[%swap3A_568], %swap3A_571 {strides = array<i32>} : memref<1024xi32, #tpu.memory_space<vmem>>, vector<16xi32>,
      %get3A_572 = arith.constant 704 : index
      %get3A_573 = tpu.vector_load %arg18[%get3A_572] {strides = array<i32>} : memref<1024xi32, #tpu.memory_space<vmem>>, vector<16xi32>,
      %get3A_574 = vector.shape_cast %get3A_573 : vector<16xi32> to vector<16xi32>
      %jit3A_575 = arith.constant 0 : i32
      %jit3A_576 = arith.constant 20479 : i32
      %max3A_577 = vector.broadcast %jit3A_575 : i32 to vector<16xi32>
      %max3A_578 = arith.maxsi %max3A_577, %get3A_574 : vector<16xi32>
      %min3A_579 = vector.broadcast %jit3A_576 : i32 to vector<16xi32>
      %min3A_580 = arith.minsi %min3A_579, %max3A_578 : vector<16xi32>
      %swap3A_581 = arith.constant 704 : index
      %swap3A_582 = tpu.vector_load %arg18[%swap3A_581] {strides = array<i32>} : memref<1024xi32, #tpu.memory_space<vmem>>, vector<16xi32>,
      %swap3A_583 = vector.shape_cast %swap3A_582 : vector<16xi32> to vector<16xi32>
      %swap3A_584 = vector.shape_cast %min3A_580 : vector<16xi32> to vector<16xi32>
      tpu.vector_store %arg18[%swap3A_581], %swap3A_584 {strides = array<i32>} : memref<1024xi32, #tpu.memory_space<vmem>>, vector<16xi32>,
      %get3A_585 = arith.constant 720 : index
      %get3A_586 = tpu.vector_load %arg18[%get3A_585] {strides = array<i32>} : memref<1024xi32, #tpu.memory_space<vmem>>, vector<16xi32>,
      %get3A_587 = vector.shape_cast %get3A_586 : vector<16xi32> to vector<16xi32>
      %jit3A_588 = arith.constant 0 : i32
      %jit3A_589 = arith.constant 20479 : i32
      %max3A_590 = vector.broadcast %jit3A_588 : i32 to vector<16xi32>
      %max3A_591 = arith.maxsi %max3A_590, %get3A_587 : vector<16xi32>
      %min3A_592 = vector.broadcast %jit3A_589 : i32 to vector<16xi32>
      %min3A_593 = arith.minsi %min3A_592, %max3A_591 : vector<16xi32>
      %swap3A_594 = arith.constant 720 : index
      %swap3A_595 = tpu.vector_load %arg18[%swap3A_594] {strides = array<i32>} : memref<1024xi32, #tpu.memory_space<vmem>>, vector<16xi32>,
      %swap3A_596 = vector.shape_cast %swap3A_595 : vector<16xi32> to vector<16xi32>
      %swap3A_597 = vector.shape_cast %min3A_593 : vector<16xi32> to vector<16xi32>
      tpu.vector_store %arg18[%swap3A_594], %swap3A_597 {strides = array<i32>} : memref<1024xi32, #tpu.memory_space<vmem>>, vector<16xi32>,
      %get3A_598 = arith.constant 736 : index
      %get3A_599 = tpu.vector_load %arg18[%get3A_598] {strides = array<i32>} : memref<1024xi32, #tpu.memory_space<vmem>>, vector<16xi32>,
      %get3A_600 = vector.shape_cast %get3A_599 : vector<16xi32> to vector<16xi32>
      %jit3A_601 = arith.constant 0 : i32
      %jit3A_602 = arith.constant 20479 : i32
      %max3A_603 = vector.broadcast %jit3A_601 : i32 to vector<16xi32>
      %max3A_604 = arith.maxsi %max3A_603, %get3A_600 : vector<16xi32>
      %min3A_605 = vector.broadcast %jit3A_602 : i32 to vector<16xi32>
      %min3A_606 = arith.minsi %min3A_605, %max3A_604 : vector<16xi32>
      %swap3A_607 = arith.constant 736 : index
      %swap3A_608 = tpu.vector_load %arg18[%swap3A_607] {strides = array<i32>} : memref<1024xi32, #tpu.memory_space<vmem>>, vector<16xi32>,
      %swap3A_609 = vector.shape_cast %swap3A_608 : vector<16xi32> to vector<16xi32>
      %swap3A_610 = vector.shape_cast %min3A_606 : vector<16xi32> to vector<16xi32>
      tpu.vector_store %arg18[%swap3A_607], %swap3A_610 {strides = array<i32>} : memref<1024xi32, #tpu.memory_space<vmem>>, vector<16xi32>,
      %get3A_611 = arith.constant 752 : index
      %get3A_612 = tpu.vector_load %arg18[%get3A_611] {strides = array<i32>} : memref<1024xi32, #tpu.memory_space<vmem>>, vector<16xi32>,
      %get3A_613 = vector.shape_cast %get3A_612 : vector<16xi32> to vector<16xi32>
      %jit3A_614 = arith.constant 0 : i32
      %jit3A_615 = arith.constant 20479 : i32
      %max3A_616 = vector.broadcast %jit3A_614 : i32 to vector<16xi32>
      %max3A_617 = arith.maxsi %max3A_616, %get3A_613 : vector<16xi32>
      %min3A_618 = vector.broadcast %jit3A_615 : i32 to vector<16xi32>
      %min3A_619 = arith.minsi %min3A_618, %max3A_617 : vector<16xi32>
      %swap3A_620 = arith.constant 752 : index
      %swap3A_621 = tpu.vector_load %arg18[%swap3A_620] {strides = array<i32>} : memref<1024xi32, #tpu.memory_space<vmem>>, vector<16xi32>,
      %swap3A_622 = vector.shape_cast %swap3A_621 : vector<16xi32> to vector<16xi32>
      %swap3A_623 = vector.shape_cast %min3A_619 : vector<16xi32> to vector<16xi32>
      tpu.vector_store %arg18[%swap3A_620], %swap3A_623 {strides = array<i32>} : memref<1024xi32, #tpu.memory_space<vmem>>, vector<16xi32>,
      %get3A_624 = arith.constant 768 : index
      %get3A_625 = tpu.vector_load %arg18[%get3A_624] {strides = array<i32>} : memref<1024xi32, #tpu.memory_space<vmem>>, vector<16xi32>,
      %get3A_626 = vector.shape_cast %get3A_625 : vector<16xi32> to vector<16xi32>
      %jit3A_627 = arith.constant 0 : i32
      %jit3A_628 = arith.constant 20479 : i32
      %max3A_629 = vector.broadcast %jit3A_627 : i32 to vector<16xi32>
      %max3A_630 = arith.maxsi %max3A_629, %get3A_626 : vector<16xi32>
      %min3A_631 = vector.broadcast %jit3A_628 : i32 to vector<16xi32>
      %min3A_632 = arith.minsi %min3A_631, %max3A_630 : vector<16xi32>
      %swap3A_633 = arith.constant 768 : index
      %swap3A_634 = tpu.vector_load %arg18[%swap3A_633] {strides = array<i32>} : memref<1024xi32, #tpu.memory_space<vmem>>, vector<16xi32>,
      %swap3A_635 = vector.shape_cast %swap3A_634 : vector<16xi32> to vector<16xi32>
      %swap3A_636 = vector.shape_cast %min3A_632 : vector<16xi32> to vector<16xi32>
      tpu.vector_store %arg18[%swap3A_633], %swap3A_636 {strides = array<i32>} : memref<1024xi32, #tpu.memory_space<vmem>>, vector<16xi32>,
      %get3A_637 = arith.constant 784 : index
      %get3A_638 = tpu.vector_load %arg18[%get3A_637] {strides = array<i32>} : memref<1024xi32, #tpu.memory_space<vmem>>, vector<16xi32>,
      %get3A_639 = vector.shape_cast %get3A_638 : vector<16xi32> to vector<16xi32>
      %jit3A_640 = arith.constant 0 : i32
      %jit3A_641 = arith.constant 20479 : i32
      %max3A_642 = vector.broadcast %jit3A_640 : i32 to vector<16xi32>
      %max3A_643 = arith.maxsi %max3A_642, %get3A_639 : vector<16xi32>
      %min3A_644 = vector.broadcast %jit3A_641 : i32 to vector<16xi32>
      %min3A_645 = arith.minsi %min3A_644, %max3A_643 : vector<16xi32>
      %swap3A_646 = arith.constant 784 : index
      %swap3A_647 = tpu.vector_load %arg18[%swap3A_646] {strides = array<i32>} : memref<1024xi32, #tpu.memory_space<vmem>>, vector<16xi32>,
      %swap3A_648 = vector.shape_cast %swap3A_647 : vector<16xi32> to vector<16xi32>
      %swap3A_649 = vector.shape_cast %min3A_645 : vector<16xi32> to vector<16xi32>
      tpu.vector_store %arg18[%swap3A_646], %swap3A_649 {strides = array<i32>} : memref<1024xi32, #tpu.memory_space<vmem>>, vector<16xi32>,
      %get3A_650 = arith.constant 800 : index
      %get3A_651 = tpu.vector_load %arg18[%get3A_650] {strides = array<i32>} : memref<1024xi32, #tpu.memory_space<vmem>>, vector<16xi32>,
      %get3A_652 = vector.shape_cast %get3A_651 : vector<16xi32> to vector<16xi32>
      %jit3A_653 = arith.constant 0 : i32
      %jit3A_654 = arith.constant 20479 : i32
      %max3A_655 = vector.broadcast %jit3A_653 : i32 to vector<16xi32>
      %max3A_656 = arith.maxsi %max3A_655, %get3A_652 : vector<16xi32>
      %min3A_657 = vector.broadcast %jit3A_654 : i32 to vector<16xi32>
      %min3A_658 = arith.minsi %min3A_657, %max3A_656 : vector<16xi32>
      %swap3A_659 = arith.constant 800 : index
      %swap3A_660 = tpu.vector_load %arg18[%swap3A_659] {strides = array<i32>} : memref<1024xi32, #tpu.memory_space<vmem>>, vector<16xi32>,
      %swap3A_661 = vector.shape_cast %swap3A_660 : vector<16xi32> to vector<16xi32>
      %swap3A_662 = vector.shape_cast %min3A_658 : vector<16xi32> to vector<16xi32>
      tpu.vector_store %arg18[%swap3A_659], %swap3A_662 {strides = array<i32>} : memref<1024xi32, #tpu.memory_space<vmem>>, vector<16xi32>,
      %get3A_663 = arith.constant 816 : index
      %get3A_664 = tpu.vector_load %arg18[%get3A_663] {strides = array<i32>} : memref<1024xi32, #tpu.memory_space<vmem>>, vector<16xi32>,
      %get3A_665 = vector.shape_cast %get3A_664 : vector<16xi32> to vector<16xi32>
      %jit3A_666 = arith.constant 0 : i32
      %jit3A_667 = arith.constant 20479 : i32
      %max3A_668 = vector.broadcast %jit3A_666 : i32 to vector<16xi32>
      %max3A_669 = arith.maxsi %max3A_668, %get3A_665 : vector<16xi32>
      %min3A_670 = vector.broadcast %jit3A_667 : i32 to vector<16xi32>
      %min3A_671 = arith.minsi %min3A_670, %max3A_669 : vector<16xi32>
      %swap3A_672 = arith.constant 816 : index
      %swap3A_673 = tpu.vector_load %arg18[%swap3A_672] {strides = array<i32>} : memref<1024xi32, #tpu.memory_space<vmem>>, vector<16xi32>,
      %swap3A_674 = vector.shape_cast %swap3A_673 : vector<16xi32> to vector<16xi32>
      %swap3A_675 = vector.shape_cast %min3A_671 : vector<16xi32> to vector<16xi32>
      tpu.vector_store %arg18[%swap3A_672], %swap3A_675 {strides = array<i32>} : memref<1024xi32, #tpu.memory_space<vmem>>, vector<16xi32>,
      %get3A_676 = arith.constant 832 : index
      %get3A_677 = tpu.vector_load %arg18[%get3A_676] {strides = array<i32>} : memref<1024xi32, #tpu.memory_space<vmem>>, vector<16xi32>,
      %get3A_678 = vector.shape_cast %get3A_677 : vector<16xi32> to vector<16xi32>
      %jit3A_679 = arith.constant 0 : i32
      %jit3A_680 = arith.constant 20479 : i32
      %max3A_681 = vector.broadcast %jit3A_679 : i32 to vector<16xi32>
      %max3A_682 = arith.maxsi %max3A_681, %get3A_678 : vector<16xi32>
      %min3A_683 = vector.broadcast %jit3A_680 : i32 to vector<16xi32>
      %min3A_684 = arith.minsi %min3A_683, %max3A_682 : vector<16xi32>
      %swap3A_685 = arith.constant 832 : index
      %swap3A_686 = tpu.vector_load %arg18[%swap3A_685] {strides = array<i32>} : memref<1024xi32, #tpu.memory_space<vmem>>, vector<16xi32>,
      %swap3A_687 = vector.shape_cast %swap3A_686 : vector<16xi32> to vector<16xi32>
      %swap3A_688 = vector.shape_cast %min3A_684 : vector<16xi32> to vector<16xi32>
      tpu.vector_store %arg18[%swap3A_685], %swap3A_688 {strides = array<i32>} : memref<1024xi32, #tpu.memory_space<vmem>>, vector<16xi32>,
      %get3A_689 = arith.constant 848 : index
      %get3A_690 = tpu.vector_load %arg18[%get3A_689] {strides = array<i32>} : memref<1024xi32, #tpu.memory_space<vmem>>, vector<16xi32>,
      %get3A_691 = vector.shape_cast %get3A_690 : vector<16xi32> to vector<16xi32>
      %jit3A_692 = arith.constant 0 : i32
      %jit3A_693 = arith.constant 20479 : i32
      %max3A_694 = vector.broadcast %jit3A_692 : i32 to vector<16xi32>
      %max3A_695 = arith.maxsi %max3A_694, %get3A_691 : vector<16xi32>
      %min3A_696 = vector.broadcast %jit3A_693 : i32 to vector<16xi32>
      %min3A_697 = arith.minsi %min3A_696, %max3A_695 : vector<16xi32>
      %swap3A_698 = arith.constant 848 : index
      %swap3A_699 = tpu.vector_load %arg18[%swap3A_698] {strides = array<i32>} : memref<1024xi32, #tpu.memory_space<vmem>>, vector<16xi32>,
      %swap3A_700 = vector.shape_cast %swap3A_699 : vector<16xi32> to vector<16xi32>
      %swap3A_701 = vector.shape_cast %min3A_697 : vector<16xi32> to vector<16xi32>
      tpu.vector_store %arg18[%swap3A_698], %swap3A_701 {strides = array<i32>} : memref<1024xi32, #tpu.memory_space<vmem>>, vector<16xi32>,
      %get3A_702 = arith.constant 864 : index
      %get3A_703 = tpu.vector_load %arg18[%get3A_702] {strides = array<i32>} : memref<1024xi32, #tpu.memory_space<vmem>>, vector<16xi32>,
      %get3A_704 = vector.shape_cast %get3A_703 : vector<16xi32> to vector<16xi32>
      %jit3A_705 = arith.constant 0 : i32
      %jit3A_706 = arith.constant 20479 : i32
      %max3A_707 = vector.broadcast %jit3A_705 : i32 to vector<16xi32>
      %max3A_708 = arith.maxsi %max3A_707, %get3A_704 : vector<16xi32>
      %min3A_709 = vector.broadcast %jit3A_706 : i32 to vector<16xi32>
      %min3A_710 = arith.minsi %min3A_709, %max3A_708 : vector<16xi32>
      %swap3A_711 = arith.constant 864 : index
      %swap3A_712 = tpu.vector_load %arg18[%swap3A_711] {strides = array<i32>} : memref<1024xi32, #tpu.memory_space<vmem>>, vector<16xi32>,
      %swap3A_713 = vector.shape_cast %swap3A_712 : vector<16xi32> to vector<16xi32>
      %swap3A_714 = vector.shape_cast %min3A_710 : vector<16xi32> to vector<16xi32>
      tpu.vector_store %arg18[%swap3A_711], %swap3A_714 {strides = array<i32>} : memref<1024xi32, #tpu.memory_space<vmem>>, vector<16xi32>,
      %get3A_715 = arith.constant 880 : index
      %get3A_716 = tpu.vector_load %arg18[%get3A_715] {strides = array<i32>} : memref<1024xi32, #tpu.memory_space<vmem>>, vector<16xi32>,
      %get3A_717 = vector.shape_cast %get3A_716 : vector<16xi32> to vector<16xi32>
      %jit3A_718 = arith.constant 0 : i32
      %jit3A_719 = arith.constant 20479 : i32
      %max3A_720 = vector.broadcast %jit3A_718 : i32 to vector<16xi32>
      %max3A_721 = arith.maxsi %max3A_720, %get3A_717 : vector<16xi32>
      %min3A_722 = vector.broadcast %jit3A_719 : i32 to vector<16xi32>
      %min3A_723 = arith.minsi %min3A_722, %max3A_721 : vector<16xi32>
      %swap3A_724 = arith.constant 880 : index
      %swap3A_725 = tpu.vector_load %arg18[%swap3A_724] {strides = array<i32>} : memref<1024xi32, #tpu.memory_space<vmem>>, vector<16xi32>,
      %swap3A_726 = vector.shape_cast %swap3A_725 : vector<16xi32> to vector<16xi32>
      %swap3A_727 = vector.shape_cast %min3A_723 : vector<16xi32> to vector<16xi32>
      tpu.vector_store %arg18[%swap3A_724], %swap3A_727 {strides = array<i32>} : memref<1024xi32, #tpu.memory_space<vmem>>, vector<16xi32>,
      %get3A_728 = arith.constant 896 : index
      %get3A_729 = tpu.vector_load %arg18[%get3A_728] {strides = array<i32>} : memref<1024xi32, #tpu.memory_space<vmem>>, vector<16xi32>,
      %get3A_730 = vector.shape_cast %get3A_729 : vector<16xi32> to vector<16xi32>
      %jit3A_731 = arith.constant 0 : i32
      %jit3A_732 = arith.constant 20479 : i32
      %max3A_733 = vector.broadcast %jit3A_731 : i32 to vector<16xi32>
      %max3A_734 = arith.maxsi %max3A_733, %get3A_730 : vector<16xi32>
      %min3A_735 = vector.broadcast %jit3A_732 : i32 to vector<16xi32>
      %min3A_736 = arith.minsi %min3A_735, %max3A_734 : vector<16xi32>
      %swap3A_737 = arith.constant 896 : index
      %swap3A_738 = tpu.vector_load %arg18[%swap3A_737] {strides = array<i32>} : memref<1024xi32, #tpu.memory_space<vmem>>, vector<16xi32>,
      %swap3A_739 = vector.shape_cast %swap3A_738 : vector<16xi32> to vector<16xi32>
      %swap3A_740 = vector.shape_cast %min3A_736 : vector<16xi32> to vector<16xi32>
      tpu.vector_store %arg18[%swap3A_737], %swap3A_740 {strides = array<i32>} : memref<1024xi32, #tpu.memory_space<vmem>>, vector<16xi32>,
      %get3A_741 = arith.constant 912 : index
      %get3A_742 = tpu.vector_load %arg18[%get3A_741] {strides = array<i32>} : memref<1024xi32, #tpu.memory_space<vmem>>, vector<16xi32>,
      %get3A_743 = vector.shape_cast %get3A_742 : vector<16xi32> to vector<16xi32>
      %jit3A_744 = arith.constant 0 : i32
      %jit3A_745 = arith.constant 20479 : i32
      %max3A_746 = vector.broadcast %jit3A_744 : i32 to vector<16xi32>
      %max3A_747 = arith.maxsi %max3A_746, %get3A_743 : vector<16xi32>
      %min3A_748 = vector.broadcast %jit3A_745 : i32 to vector<16xi32>
      %min3A_749 = arith.minsi %min3A_748, %max3A_747 : vector<16xi32>
      %swap3A_750 = arith.constant 912 : index
      %swap3A_751 = tpu.vector_load %arg18[%swap3A_750] {strides = array<i32>} : memref<1024xi32, #tpu.memory_space<vmem>>, vector<16xi32>,
      %swap3A_752 = vector.shape_cast %swap3A_751 : vector<16xi32> to vector<16xi32>
      %swap3A_753 = vector.shape_cast %min3A_749 : vector<16xi32> to vector<16xi32>
      tpu.vector_store %arg18[%swap3A_750], %swap3A_753 {strides = array<i32>} : memref<1024xi32, #tpu.memory_space<vmem>>, vector<16xi32>,
      %get3A_754 = arith.constant 928 : index
      %get3A_755 = tpu.vector_load %arg18[%get3A_754] {strides = array<i32>} : memref<1024xi32, #tpu.memory_space<vmem>>, vector<16xi32>,
      %get3A_756 = vector.shape_cast %get3A_755 : vector<16xi32> to vector<16xi32>
      %jit3A_757 = arith.constant 0 : i32
      %jit3A_758 = arith.constant 20479 : i32
      %max3A_759 = vector.broadcast %jit3A_757 : i32 to vector<16xi32>
      %max3A_760 = arith.maxsi %max3A_759, %get3A_756 : vector<16xi32>
      %min3A_761 = vector.broadcast %jit3A_758 : i32 to vector<16xi32>
      %min3A_762 = arith.minsi %min3A_761, %max3A_760 : vector<16xi32>
      %swap3A_763 = arith.constant 928 : index
      %swap3A_764 = tpu.vector_load %arg18[%swap3A_763] {strides = array<i32>} : memref<1024xi32, #tpu.memory_space<vmem>>, vector<16xi32>,
      %swap3A_765 = vector.shape_cast %swap3A_764 : vector<16xi32> to vector<16xi32>
      %swap3A_766 = vector.shape_cast %min3A_762 : vector<16xi32> to vector<16xi32>
      tpu.vector_store %arg18[%swap3A_763], %swap3A_766 {strides = array<i32>} : memref<1024xi32, #tpu.memory_space<vmem>>, vector<16xi32>,
      %get3A_767 = arith.constant 944 : index
      %get3A_768 = tpu.vector_load %arg18[%get3A_767] {strides = array<i32>} : memref<1024xi32, #tpu.memory_space<vmem>>, vector<16xi32>,
      %get3A_769 = vector.shape_cast %get3A_768 : vector<16xi32> to vector<16xi32>
      %jit3A_770 = arith.constant 0 : i32
      %jit3A_771 = arith.constant 20479 : i32
      %max3A_772 = vector.broadcast %jit3A_770 : i32 to vector<16xi32>
      %max3A_773 = arith.maxsi %max3A_772, %get3A_769 : vector<16xi32>
      %min3A_774 = vector.broadcast %jit3A_771 : i32 to vector<16xi32>
      %min3A_775 = arith.minsi %min3A_774, %max3A_773 : vector<16xi32>
      %swap3A_776 = arith.constant 944 : index
      %swap3A_777 = tpu.vector_load %arg18[%swap3A_776] {strides = array<i32>} : memref<1024xi32, #tpu.memory_space<vmem>>, vector<16xi32>,
      %swap3A_778 = vector.shape_cast %swap3A_777 : vector<16xi32> to vector<16xi32>
      %swap3A_779 = vector.shape_cast %min3A_775 : vector<16xi32> to vector<16xi32>
      tpu.vector_store %arg18[%swap3A_776], %swap3A_779 {strides = array<i32>} : memref<1024xi32, #tpu.memory_space<vmem>>, vector<16xi32>,
      %get3A_780 = arith.constant 960 : index
      %get3A_781 = tpu.vector_load %arg18[%get3A_780] {strides = array<i32>} : memref<1024xi32, #tpu.memory_space<vmem>>, vector<16xi32>,
      %get3A_782 = vector.shape_cast %get3A_781 : vector<16xi32> to vector<16xi32>
      %jit3A_783 = arith.constant 0 : i32
      %jit3A_784 = arith.constant 20479 : i32
      %max3A_785 = vector.broadcast %jit3A_783 : i32 to vector<16xi32>
      %max3A_786 = arith.maxsi %max3A_785, %get3A_782 : vector<16xi32>
      %min3A_787 = vector.broadcast %jit3A_784 : i32 to vector<16xi32>
      %min3A_788 = arith.minsi %min3A_787, %max3A_786 : vector<16xi32>
      %swap3A_789 = arith.constant 960 : index
      %swap3A_790 = tpu.vector_load %arg18[%swap3A_789] {strides = array<i32>} : memref<1024xi32, #tpu.memory_space<vmem>>, vector<16xi32>,
      %swap3A_791 = vector.shape_cast %swap3A_790 : vector<16xi32> to vector<16xi32>
      %swap3A_792 = vector.shape_cast %min3A_788 : vector<16xi32> to vector<16xi32>
      tpu.vector_store %arg18[%swap3A_789], %swap3A_792 {strides = array<i32>} : memref<1024xi32, #tpu.memory_space<vmem>>, vector<16xi32>,
      %get3A_793 = arith.constant 976 : index
      %get3A_794 = tpu.vector_load %arg18[%get3A_793] {strides = array<i32>} : memref<1024xi32, #tpu.memory_space<vmem>>, vector<16xi32>,
      %get3A_795 = vector.shape_cast %get3A_794 : vector<16xi32> to vector<16xi32>
      %jit3A_796 = arith.constant 0 : i32
      %jit3A_797 = arith.constant 20479 : i32
      %max3A_798 = vector.broadcast %jit3A_796 : i32 to vector<16xi32>
      %max3A_799 = arith.maxsi %max3A_798, %get3A_795 : vector<16xi32>
      %min3A_800 = vector.broadcast %jit3A_797 : i32 to vector<16xi32>
      %min3A_801 = arith.minsi %min3A_800, %max3A_799 : vector<16xi32>
      %swap3A_802 = arith.constant 976 : index
      %swap3A_803 = tpu.vector_load %arg18[%swap3A_802] {strides = array<i32>} : memref<1024xi32, #tpu.memory_space<vmem>>, vector<16xi32>,
      %swap3A_804 = vector.shape_cast %swap3A_803 : vector<16xi32> to vector<16xi32>
      %swap3A_805 = vector.shape_cast %min3A_801 : vector<16xi32> to vector<16xi32>
      tpu.vector_store %arg18[%swap3A_802], %swap3A_805 {strides = array<i32>} : memref<1024xi32, #tpu.memory_space<vmem>>, vector<16xi32>,
      %get3A_806 = arith.constant 992 : index
      %get3A_807 = tpu.vector_load %arg18[%get3A_806] {strides = array<i32>} : memref<1024xi32, #tpu.memory_space<vmem>>, vector<16xi32>,
      %get3A_808 = vector.shape_cast %get3A_807 : vector<16xi32> to vector<16xi32>
      %jit3A_809 = arith.constant 0 : i32
      %jit3A_810 = arith.constant 20479 : i32
      %max3A_811 = vector.broadcast %jit3A_809 : i32 to vector<16xi32>
      %max3A_812 = arith.maxsi %max3A_811, %get3A_808 : vector<16xi32>
      %min3A_813 = vector.broadcast %jit3A_810 : i32 to vector<16xi32>
      %min3A_814 = arith.minsi %min3A_813, %max3A_812 : vector<16xi32>
      %swap3A_815 = arith.constant 992 : index
      %swap3A_816 = tpu.vector_load %arg18[%swap3A_815] {strides = array<i32>} : memref<1024xi32, #tpu.memory_space<vmem>>, vector<16xi32>,
      %swap3A_817 = vector.shape_cast %swap3A_816 : vector<16xi32> to vector<16xi32>
      %swap3A_818 = vector.shape_cast %min3A_814 : vector<16xi32> to vector<16xi32>
      tpu.vector_store %arg18[%swap3A_815], %swap3A_818 {strides = array<i32>} : memref<1024xi32, #tpu.memory_space<vmem>>, vector<16xi32>,
      %get3A_819 = arith.constant 1008 : index
      %get3A_820 = tpu.vector_load %arg18[%get3A_819] {strides = array<i32>} : memref<1024xi32, #tpu.memory_space<vmem>>, vector<16xi32>,
      %get3A_821 = vector.shape_cast %get3A_820 : vector<16xi32> to vector<16xi32>
      %jit3A_822 = arith.constant 0 : i32
      %jit3A_823 = arith.constant 20479 : i32
      %max3A_824 = vector.broadcast %jit3A_822 : i32 to vector<16xi32>
      %max3A_825 = arith.maxsi %max3A_824, %get3A_821 : vector<16xi32>
      %min3A_826 = vector.broadcast %jit3A_823 : i32 to vector<16xi32>
      %min3A_827 = arith.minsi %min3A_826, %max3A_825 : vector<16xi32>
      %swap3A_828 = arith.constant 1008 : index
      %swap3A_829 = tpu.vector_load %arg18[%swap3A_828] {strides = array<i32>} : memref<1024xi32, #tpu.memory_space<vmem>>, vector<16xi32>,
      %swap3A_830 = vector.shape_cast %swap3A_829 : vector<16xi32> to vector<16xi32>
      %swap3A_831 = vector.shape_cast %min3A_827 : vector<16xi32> to vector<16xi32>
      tpu.vector_store %arg18[%swap3A_828], %swap3A_831 {strides = array<i32>} : memref<1024xi32, #tpu.memory_space<vmem>>, vector<16xi32>,
      "tpu.region"() ({
        %run_scoped3A = tpu.sem_alloc : memref<!tpu.dma_semaphore, #tpu.memory_space<semaphore_mem>>
        tpu.enqueue_dma source(%arg18 : memref<1024xi32, #tpu.memory_space<vmem>>) target(%arg9 : memref<1024xi32, #tpu.memory_space<hbm>>) target_semaphore(%run_scoped3A : memref<!tpu.dma_semaphore, #tpu.memory_space<semaphore_mem>>)
        tpu.wait_dma2 semaphore(%run_scoped3A : memref<!tpu.dma_semaphore, #tpu.memory_space<semaphore_mem>>) src(%arg18 : memref<1024xi32, #tpu.memory_space<vmem>>) dst(%arg9 : memref<1024xi32, #tpu.memory_space<hbm>>)
        tpu.yield
      }) : () -> ()
      "tpu.region"() ({
        %run_scoped3A = tpu.sem_alloc : memref<!tpu.dma_semaphore, #tpu.memory_space<semaphore_mem>>
        tpu.enqueue_dma source(%arg4 : memref<20480xf32, #tpu.memory_space<hbm>>) target(%arg19 : memref<20480xf32, #tpu.memory_space<vmem_shared>>) target_semaphore(%run_scoped3A : memref<!tpu.dma_semaphore, #tpu.memory_space<semaphore_mem>>)
        tpu.wait_dma2 semaphore(%run_scoped3A : memref<!tpu.dma_semaphore, #tpu.memory_space<semaphore_mem>>) src(%arg4 : memref<20480xf32, #tpu.memory_space<hbm>>) dst(%arg19 : memref<20480xf32, #tpu.memory_space<vmem_shared>>)
        tpu.yield
      }) : () -> ()
      %dma_start3A_832 = arith.constant 0 : i32
      %dma_start3A_833 = tpu.memref_slice %arg19[%dma_start3A_832] : memref<20480xf32, #tpu.memory_space<vmem_shared>> -> memref<20480xf32, #tpu.memory_space<vmem_shared>>
      tpu.enqueue_indirect_dma source(%dma_start3A_833 : memref<20480xf32, #tpu.memory_space<vmem_shared>>) target(%arg20 : memref<1024xf32, #tpu.memory_space<vmem>>) offsets(%arg18 : memref<1024xi32, #tpu.memory_space<vmem>>) semaphore(%arg21 : memref<!tpu.dma_semaphore, #tpu.memory_space<semaphore_mem>>)
      %dma_wait3A_834 = arith.constant 0 : i32
      %dma_wait3A_835 = tpu.memref_slice %arg19[%dma_wait3A_834] : memref<20480xf32, #tpu.memory_space<vmem_shared>> -> memref<20480xf32, #tpu.memory_space<vmem_shared>>
      tpu.wait_indirect_dma semaphore(%arg21 : memref<!tpu.dma_semaphore, #tpu.memory_space<semaphore_mem>>) src(%dma_wait3A_835 : memref<20480xf32, #tpu.memory_space<vmem_shared>>) dst(%arg20 : memref<1024xf32, #tpu.memory_space<vmem>>)
      "tpu.region"() ({
        %run_scoped3A = tpu.sem_alloc : memref<!tpu.dma_semaphore, #tpu.memory_space<semaphore_mem>>
        tpu.enqueue_dma source(%arg20 : memref<1024xf32, #tpu.memory_space<vmem>>) target(%arg10 : memref<1024xf32, #tpu.memory_space<hbm>>) target_semaphore(%run_scoped3A : memref<!tpu.dma_semaphore, #tpu.memory_space<semaphore_mem>>)
        tpu.wait_dma2 semaphore(%run_scoped3A : memref<!tpu.dma_semaphore, #tpu.memory_space<semaphore_mem>>) src(%arg20 : memref<1024xf32, #tpu.memory_space<vmem>>) dst(%arg10 : memref<1024xf32, #tpu.memory_space<hbm>>)
        tpu.yield
      }) : () -> ()
      "tpu.region"() ({
        %run_scoped3A = tpu.sem_alloc : memref<!tpu.dma_semaphore, #tpu.memory_space<semaphore_mem>>
        tpu.enqueue_dma source(%arg5 : memref<20480xf32, #tpu.memory_space<hbm>>) target(%arg19 : memref<20480xf32, #tpu.memory_space<vmem_shared>>) target_semaphore(%run_scoped3A : memref<!tpu.dma_semaphore, #tpu.memory_space<semaphore_mem>>)
        tpu.wait_dma2 semaphore(%run_scoped3A : memref<!tpu.dma_semaphore, #tpu.memory_space<semaphore_mem>>) src(%arg5 : memref<20480xf32, #tpu.memory_space<hbm>>) dst(%arg19 : memref<20480xf32, #tpu.memory_space<vmem_shared>>)
        tpu.yield
      }) : () -> ()
      %dma_start3A_836 = arith.constant 0 : i32
      %dma_start3A_837 = tpu.memref_slice %arg19[%dma_start3A_836] : memref<20480xf32, #tpu.memory_space<vmem_shared>> -> memref<20480xf32, #tpu.memory_space<vmem_shared>>
      tpu.enqueue_indirect_dma source(%dma_start3A_837 : memref<20480xf32, #tpu.memory_space<vmem_shared>>) target(%arg20 : memref<1024xf32, #tpu.memory_space<vmem>>) offsets(%arg18 : memref<1024xi32, #tpu.memory_space<vmem>>) semaphore(%arg21 : memref<!tpu.dma_semaphore, #tpu.memory_space<semaphore_mem>>)
      %dma_wait3A_838 = arith.constant 0 : i32
      %dma_wait3A_839 = tpu.memref_slice %arg19[%dma_wait3A_838] : memref<20480xf32, #tpu.memory_space<vmem_shared>> -> memref<20480xf32, #tpu.memory_space<vmem_shared>>
      tpu.wait_indirect_dma semaphore(%arg21 : memref<!tpu.dma_semaphore, #tpu.memory_space<semaphore_mem>>) src(%dma_wait3A_839 : memref<20480xf32, #tpu.memory_space<vmem_shared>>) dst(%arg20 : memref<1024xf32, #tpu.memory_space<vmem>>)
      "tpu.region"() ({
        %run_scoped3A = tpu.sem_alloc : memref<!tpu.dma_semaphore, #tpu.memory_space<semaphore_mem>>
        tpu.enqueue_dma source(%arg20 : memref<1024xf32, #tpu.memory_space<vmem>>) target(%arg11 : memref<1024xf32, #tpu.memory_space<hbm>>) target_semaphore(%run_scoped3A : memref<!tpu.dma_semaphore, #tpu.memory_space<semaphore_mem>>)
        tpu.wait_dma2 semaphore(%run_scoped3A : memref<!tpu.dma_semaphore, #tpu.memory_space<semaphore_mem>>) src(%arg20 : memref<1024xf32, #tpu.memory_space<vmem>>) dst(%arg11 : memref<1024xf32, #tpu.memory_space<hbm>>)
        tpu.yield
      }) : () -> ()
      "tpu.region"() ({
        %run_scoped3A = tpu.sem_alloc : memref<!tpu.dma_semaphore, #tpu.memory_space<semaphore_mem>>
        tpu.enqueue_dma source(%arg6 : memref<20480xf32, #tpu.memory_space<hbm>>) target(%arg19 : memref<20480xf32, #tpu.memory_space<vmem_shared>>) target_semaphore(%run_scoped3A : memref<!tpu.dma_semaphore, #tpu.memory_space<semaphore_mem>>)
        tpu.wait_dma2 semaphore(%run_scoped3A : memref<!tpu.dma_semaphore, #tpu.memory_space<semaphore_mem>>) src(%arg6 : memref<20480xf32, #tpu.memory_space<hbm>>) dst(%arg19 : memref<20480xf32, #tpu.memory_space<vmem_shared>>)
        tpu.yield
      }) : () -> ()
      %dma_start3A_840 = arith.constant 0 : i32
      %dma_start3A_841 = tpu.memref_slice %arg19[%dma_start3A_840] : memref<20480xf32, #tpu.memory_space<vmem_shared>> -> memref<20480xf32, #tpu.memory_space<vmem_shared>>
      tpu.enqueue_indirect_dma source(%dma_start3A_841 : memref<20480xf32, #tpu.memory_space<vmem_shared>>) target(%arg20 : memref<1024xf32, #tpu.memory_space<vmem>>) offsets(%arg18 : memref<1024xi32, #tpu.memory_space<vmem>>) semaphore(%arg21 : memref<!tpu.dma_semaphore, #tpu.memory_space<semaphore_mem>>)
      %dma_wait3A_842 = arith.constant 0 : i32
      %dma_wait3A_843 = tpu.memref_slice %arg19[%dma_wait3A_842] : memref<20480xf32, #tpu.memory_space<vmem_shared>> -> memref<20480xf32, #tpu.memory_space<vmem_shared>>
      tpu.wait_indirect_dma semaphore(%arg21 : memref<!tpu.dma_semaphore, #tpu.memory_space<semaphore_mem>>) src(%dma_wait3A_843 : memref<20480xf32, #tpu.memory_space<vmem_shared>>) dst(%arg20 : memref<1024xf32, #tpu.memory_space<vmem>>)
      "tpu.region"() ({
        %run_scoped3A = tpu.sem_alloc : memref<!tpu.dma_semaphore, #tpu.memory_space<semaphore_mem>>
        tpu.enqueue_dma source(%arg20 : memref<1024xf32, #tpu.memory_space<vmem>>) target(%arg12 : memref<1024xf32, #tpu.memory_space<hbm>>) target_semaphore(%run_scoped3A : memref<!tpu.dma_semaphore, #tpu.memory_space<semaphore_mem>>)
        tpu.wait_dma2 semaphore(%run_scoped3A : memref<!tpu.dma_semaphore, #tpu.memory_space<semaphore_mem>>) src(%arg20 : memref<1024xf32, #tpu.memory_space<vmem>>) dst(%arg12 : memref<1024xf32, #tpu.memory_space<hbm>>)
        tpu.yield
      }) : () -> ()
      "tpu.region"() ({
        %run_scoped3A = tpu.sem_alloc : memref<!tpu.dma_semaphore, #tpu.memory_space<semaphore_mem>>
        tpu.enqueue_dma source(%arg7 : memref<20480xf32, #tpu.memory_space<hbm>>) target(%arg19 : memref<20480xf32, #tpu.memory_space<vmem_shared>>) target_semaphore(%run_scoped3A : memref<!tpu.dma_semaphore, #tpu.memory_space<semaphore_mem>>)
        tpu.wait_dma2 semaphore(%run_scoped3A : memref<!tpu.dma_semaphore, #tpu.memory_space<semaphore_mem>>) src(%arg7 : memref<20480xf32, #tpu.memory_space<hbm>>) dst(%arg19 : memref<20480xf32, #tpu.memory_space<vmem_shared>>)
        tpu.yield
      }) : () -> ()
      %dma_start3A_844 = arith.constant 0 : i32
      %dma_start3A_845 = tpu.memref_slice %arg19[%dma_start3A_844] : memref<20480xf32, #tpu.memory_space<vmem_shared>> -> memref<20480xf32, #tpu.memory_space<vmem_shared>>
      tpu.enqueue_indirect_dma source(%dma_start3A_845 : memref<20480xf32, #tpu.memory_space<vmem_shared>>) target(%arg20 : memref<1024xf32, #tpu.memory_space<vmem>>) offsets(%arg18 : memref<1024xi32, #tpu.memory_space<vmem>>) semaphore(%arg21 : memref<!tpu.dma_semaphore, #tpu.memory_space<semaphore_mem>>)
      %dma_wait3A_846 = arith.constant 0 : i32
      %dma_wait3A_847 = tpu.memref_slice %arg19[%dma_wait3A_846] : memref<20480xf32, #tpu.memory_space<vmem_shared>> -> memref<20480xf32, #tpu.memory_space<vmem_shared>>
      tpu.wait_indirect_dma semaphore(%arg21 : memref<!tpu.dma_semaphore, #tpu.memory_space<semaphore_mem>>) src(%dma_wait3A_847 : memref<20480xf32, #tpu.memory_space<vmem_shared>>) dst(%arg20 : memref<1024xf32, #tpu.memory_space<vmem>>)
      "tpu.region"() ({
        %run_scoped3A = tpu.sem_alloc : memref<!tpu.dma_semaphore, #tpu.memory_space<semaphore_mem>>
        tpu.enqueue_dma source(%arg20 : memref<1024xf32, #tpu.memory_space<vmem>>) target(%arg13 : memref<1024xf32, #tpu.memory_space<hbm>>) target_semaphore(%run_scoped3A : memref<!tpu.dma_semaphore, #tpu.memory_space<semaphore_mem>>)
        tpu.wait_dma2 semaphore(%run_scoped3A : memref<!tpu.dma_semaphore, #tpu.memory_space<semaphore_mem>>) src(%arg20 : memref<1024xf32, #tpu.memory_space<vmem>>) dst(%arg13 : memref<1024xf32, #tpu.memory_space<hbm>>)
        tpu.yield
      }) : () -> ()
      "tpu.region"() ({
        %run_scoped3A = tpu.sem_alloc : memref<!tpu.dma_semaphore, #tpu.memory_space<semaphore_mem>>
        tpu.enqueue_dma source(%arg8 : memref<20480xf32, #tpu.memory_space<hbm>>) target(%arg19 : memref<20480xf32, #tpu.memory_space<vmem_shared>>) target_semaphore(%run_scoped3A : memref<!tpu.dma_semaphore, #tpu.memory_space<semaphore_mem>>)
        tpu.wait_dma2 semaphore(%run_scoped3A : memref<!tpu.dma_semaphore, #tpu.memory_space<semaphore_mem>>) src(%arg8 : memref<20480xf32, #tpu.memory_space<hbm>>) dst(%arg19 : memref<20480xf32, #tpu.memory_space<vmem_shared>>)
        tpu.yield
      }) : () -> ()
      %dma_start3A_848 = arith.constant 0 : i32
      %dma_start3A_849 = tpu.memref_slice %arg19[%dma_start3A_848] : memref<20480xf32, #tpu.memory_space<vmem_shared>> -> memref<20480xf32, #tpu.memory_space<vmem_shared>>
      tpu.enqueue_indirect_dma source(%dma_start3A_849 : memref<20480xf32, #tpu.memory_space<vmem_shared>>) target(%arg20 : memref<1024xf32, #tpu.memory_space<vmem>>) offsets(%arg18 : memref<1024xi32, #tpu.memory_space<vmem>>) semaphore(%arg21 : memref<!tpu.dma_semaphore, #tpu.memory_space<semaphore_mem>>)
      %dma_wait3A_850 = arith.constant 0 : i32
      %dma_wait3A_851 = tpu.memref_slice %arg19[%dma_wait3A_850] : memref<20480xf32, #tpu.memory_space<vmem_shared>> -> memref<20480xf32, #tpu.memory_space<vmem_shared>>
      tpu.wait_indirect_dma semaphore(%arg21 : memref<!tpu.dma_semaphore, #tpu.memory_space<semaphore_mem>>) src(%dma_wait3A_851 : memref<20480xf32, #tpu.memory_space<vmem_shared>>) dst(%arg20 : memref<1024xf32, #tpu.memory_space<vmem>>)
      "tpu.region"() ({
        %run_scoped3A = tpu.sem_alloc : memref<!tpu.dma_semaphore, #tpu.memory_space<semaphore_mem>>
        tpu.enqueue_dma source(%arg20 : memref<1024xf32, #tpu.memory_space<vmem>>) target(%arg14 : memref<1024xf32, #tpu.memory_space<hbm>>) target_semaphore(%run_scoped3A : memref<!tpu.dma_semaphore, #tpu.memory_space<semaphore_mem>>)
        tpu.wait_dma2 semaphore(%run_scoped3A : memref<!tpu.dma_semaphore, #tpu.memory_space<semaphore_mem>>) src(%arg20 : memref<1024xf32, #tpu.memory_space<vmem>>) dst(%arg14 : memref<1024xf32, #tpu.memory_space<hbm>>)
        tpu.yield
      }) : () -> ()
    } else {
    }
    return
  }
}

module attributes {stable_mosaic.version = 14 : i64} {
  func.func @_score_kernel(%arg0: memref<80x160x128xf32, #tpu.memory_space<vmem>>, %arg1: memref<160x128xf32, #tpu.memory_space<vmem>>, %arg2: memref<160x128xi32, #tpu.memory_space<vmem>>) attributes {dimension_semantics = [], scalar_prefetch = 0 : i64, scratch_operands = 0 : i64, tpu.core_type = #tpu.core_type<tc>} {
    %get3A = arith.constant 0 : index
    %get3A_0 = arith.constant 0 : index
    %get3A_1 = arith.constant 0 : index
    %get3A_2 = vector.load %arg0[%get3A, %get3A_0, %get3A_1] : memref<80x160x128xf32, #tpu.memory_space<vmem>>, vector<80x160x128xf32>
    %reduce_max3A = arith.constant dense<0xFF800000> : vector<160x128xf32>
    %reduce_max3A_3 = vector.multi_reduction <maximumf>, %get3A_2, %reduce_max3A [0] : vector<80x160x128xf32> to vector<160x128xf32>
    %iota3A = tpu.iota {dimensions = array<i32: 0>} : vector<160x128xi32>
    %mul3A = arith.constant 128 : i32
    %mul3A_4 = vector.broadcast %mul3A : i32 to vector<160x128xi32>
    %mul3A_5 = arith.muli %iota3A, %mul3A_4 : vector<160x128xi32>
    %iota3A_6 = tpu.iota {dimensions = array<i32: 1>} : vector<160x128xi32>
    %add3A = arith.addi %mul3A_5, %iota3A_6 : vector<160x128xi32>
    %scan3A = arith.constant 0 : i32
    %scan3A_7 = arith.constant 1065353216 : i32
    %scan3A_8 = arith.constant 0 : i32
    %scan3A_9 = arith.constant 31 : i32
    %scan3A_10 = arith.addi %scan3A_8, %scan3A_9 : i32
    %scan3A_11 = arith.constant 1 : i32
    %scan3A_12:2 = scf.for %scan3A_53 = %scan3A_8 to %scan3A_10 step %scan3A_11 iter_args(%scan3A_54 = %scan3A, %scan3A_55 = %scan3A_7) -> (i32, i32)  : i32 {
      %add3A_56 = arith.addi %scan3A_54, %scan3A_55 : i32
      %jit3A_57 = arith.constant 2 : i32
      %div3A = arith.divsi %add3A_56, %jit3A_57 : i32
      %sign3A = arith.constant 0 : i32
      %sign3A_58 = arith.cmpi sgt, %add3A_56, %sign3A : i32
      %sign3A_59 = arith.extui %sign3A_58 : i1 to i32
      %sign3A_60 = arith.constant 0 : i32
      %sign3A_61 = arith.cmpi slt, %add3A_56, %sign3A_60 : i32
      %sign3A_62 = arith.extui %sign3A_61 : i1 to i32
      %sign3A_63 = arith.subi %sign3A_59, %sign3A_62 : i32
      %sign3A_64 = arith.constant 0 : i32
      %sign3A_65 = arith.cmpi sgt, %jit3A_57, %sign3A_64 : i32
      %sign3A_66 = arith.extui %sign3A_65 : i1 to i32
      %sign3A_67 = arith.constant 0 : i32
      %sign3A_68 = arith.cmpi slt, %jit3A_57, %sign3A_67 : i32
      %sign3A_69 = arith.extui %sign3A_68 : i1 to i32
      %sign3A_70 = arith.subi %sign3A_66, %sign3A_69 : i32
      %ne3A = arith.cmpi ne, %sign3A_63, %sign3A_70 : i32
      %rem3A = arith.remsi %add3A_56, %jit3A_57 : i32
      %ne3A_71 = arith.constant 0 : i32
      %ne3A_72 = arith.cmpi ne, %rem3A, %ne3A_71 : i32
      %and3A_73 = arith.andi %ne3A, %ne3A_72 : i1
      %sub3A_74 = arith.constant 1 : i32
      %sub3A_75 = arith.subi %div3A, %sub3A_74 : i32
      %select_n3A_76 = arith.select %and3A_73, %sub3A_75, %div3A : i32
      %bitcast_convert_type3A_77 = arith.bitcast %select_n3A_76 : i32 to f32
      %ge3A = vector.broadcast %bitcast_convert_type3A_77 : f32 to vector<160x128xf32>
      %ge3A_78 = arith.cmpf oge, %reduce_max3A_3, %ge3A : vector<160x128xf32>
      %convert_element_type3A_79 = arith.extui %ge3A_78 : vector<160x128xi1> to vector<160x128xi32>
      %reduce_sum3A_80 = vector.shape_cast %convert_element_type3A_79 : vector<160x128xi32> to vector<1x160x128xi32>
      %reduce_sum3A_81 = arith.constant dense<0> : vector<1xi32>
      %reduce_sum3A_82 = vector.multi_reduction <add>, %reduce_sum3A_80, %reduce_sum3A_81 [1, 2] : vector<1x160x128xi32> to vector<1xi32>
      %reduce_sum3A_83 = vector.shape_cast %reduce_sum3A_82 : vector<1xi32> to vector<1x1x1xi32>
      %reduce_sum3A_84 = vector.extract %reduce_sum3A_83[0, 0, 0] : i32 from vector<1x1x1xi32>
      %ge3A_85 = arith.constant 1000 : i32
      %ge3A_86 = arith.cmpi sge, %reduce_sum3A_84, %ge3A_85 : i32
      %select_n3A_87 = arith.select %ge3A_86, %select_n3A_76, %scan3A_54 : i32
      %select_n3A_88 = arith.select %ge3A_86, %scan3A_55, %select_n3A_76 : i32
      scf.yield %select_n3A_87, %select_n3A_88 : i32, i32
    }
    %bitcast_convert_type3A = arith.bitcast %scan3A_12#0 : i32 to f32
    %gt3A = vector.broadcast %bitcast_convert_type3A : f32 to vector<160x128xf32>
    %gt3A_13 = arith.cmpf ogt, %reduce_max3A_3, %gt3A : vector<160x128xf32>
    %convert_element_type3A = arith.extui %gt3A_13 : vector<160x128xi1> to vector<160x128xi32>
    %reduce_sum3A = vector.shape_cast %convert_element_type3A : vector<160x128xi32> to vector<1x160x128xi32>
    %reduce_sum3A_14 = arith.constant dense<0> : vector<1xi32>
    %reduce_sum3A_15 = vector.multi_reduction <add>, %reduce_sum3A, %reduce_sum3A_14 [1, 2] : vector<1x160x128xi32> to vector<1xi32>
    %reduce_sum3A_16 = vector.shape_cast %reduce_sum3A_15 : vector<1xi32> to vector<1x1x1xi32>
    %reduce_sum3A_17 = vector.extract %reduce_sum3A_16[0, 0, 0] : i32 from vector<1x1x1xi32>
    %sub3A = arith.constant 1000 : i32
    %sub3A_18 = arith.subi %sub3A, %reduce_sum3A_17 : i32
    %eq3A = vector.broadcast %bitcast_convert_type3A : f32 to vector<160x128xf32>
    %eq3A_19 = arith.cmpf oeq, %reduce_max3A_3, %eq3A : vector<160x128xf32>
    %scan3A_20 = arith.constant -1 : i32
    %scan3A_21 = arith.constant 20479 : i32
    %scan3A_22 = arith.constant 0 : i32
    %scan3A_23 = arith.constant 16 : i32
    %scan3A_24 = arith.addi %scan3A_22, %scan3A_23 : i32
    %scan3A_25 = arith.constant 1 : i32
    %scan3A_26:2 = scf.for %scan3A_53 = %scan3A_22 to %scan3A_24 step %scan3A_25 iter_args(%scan3A_54 = %scan3A_20, %scan3A_55 = %scan3A_21) -> (i32, i32)  : i32 {
      %add3A_56 = arith.addi %scan3A_54, %scan3A_55 : i32
      %jit3A_57 = arith.constant 2 : i32
      %div3A = arith.divsi %add3A_56, %jit3A_57 : i32
      %sign3A = arith.constant 0 : i32
      %sign3A_58 = arith.cmpi sgt, %add3A_56, %sign3A : i32
      %sign3A_59 = arith.extui %sign3A_58 : i1 to i32
      %sign3A_60 = arith.constant 0 : i32
      %sign3A_61 = arith.cmpi slt, %add3A_56, %sign3A_60 : i32
      %sign3A_62 = arith.extui %sign3A_61 : i1 to i32
      %sign3A_63 = arith.subi %sign3A_59, %sign3A_62 : i32
      %sign3A_64 = arith.constant 0 : i32
      %sign3A_65 = arith.cmpi sgt, %jit3A_57, %sign3A_64 : i32
      %sign3A_66 = arith.extui %sign3A_65 : i1 to i32
      %sign3A_67 = arith.constant 0 : i32
      %sign3A_68 = arith.cmpi slt, %jit3A_57, %sign3A_67 : i32
      %sign3A_69 = arith.extui %sign3A_68 : i1 to i32
      %sign3A_70 = arith.subi %sign3A_66, %sign3A_69 : i32
      %ne3A = arith.cmpi ne, %sign3A_63, %sign3A_70 : i32
      %rem3A = arith.remsi %add3A_56, %jit3A_57 : i32
      %ne3A_71 = arith.constant 0 : i32
      %ne3A_72 = arith.cmpi ne, %rem3A, %ne3A_71 : i32
      %and3A_73 = arith.andi %ne3A, %ne3A_72 : i1
      %sub3A_74 = arith.constant 1 : i32
      %sub3A_75 = arith.subi %div3A, %sub3A_74 : i32
      %select_n3A_76 = arith.select %and3A_73, %sub3A_75, %div3A : i32
      %le3A_77 = vector.broadcast %select_n3A_76 : i32 to vector<160x128xi32>
      %le3A_78 = arith.cmpi sle, %add3A, %le3A_77 : vector<160x128xi32>
      %and3A_79 = arith.andi %eq3A_19, %le3A_78 : vector<160x128xi1>
      %convert_element_type3A_80 = arith.extui %and3A_79 : vector<160x128xi1> to vector<160x128xi32>
      %reduce_sum3A_81 = vector.shape_cast %convert_element_type3A_80 : vector<160x128xi32> to vector<1x160x128xi32>
      %reduce_sum3A_82 = arith.constant dense<0> : vector<1xi32>
      %reduce_sum3A_83 = vector.multi_reduction <add>, %reduce_sum3A_81, %reduce_sum3A_82 [1, 2] : vector<1x160x128xi32> to vector<1xi32>
      %reduce_sum3A_84 = vector.shape_cast %reduce_sum3A_83 : vector<1xi32> to vector<1x1x1xi32>
      %reduce_sum3A_85 = vector.extract %reduce_sum3A_84[0, 0, 0] : i32 from vector<1x1x1xi32>
      %ge3A = arith.cmpi sge, %reduce_sum3A_85, %sub3A_18 : i32
      %select_n3A_86 = arith.select %ge3A, %scan3A_54, %select_n3A_76 : i32
      %select_n3A_87 = arith.select %ge3A, %select_n3A_76, %scan3A_55 : i32
      scf.yield %select_n3A_86, %select_n3A_87 : i32, i32
    }
    %gt3A_27 = vector.broadcast %bitcast_convert_type3A : f32 to vector<160x128xf32>
    %gt3A_28 = arith.cmpf ogt, %reduce_max3A_3, %gt3A_27 : vector<160x128xf32>
    %le3A = vector.broadcast %scan3A_26#1 : i32 to vector<160x128xi32>
    %le3A_29 = arith.cmpi sle, %add3A, %le3A : vector<160x128xi32>
    %and3A = arith.andi %eq3A_19, %le3A_29 : vector<160x128xi1>
    %or3A = arith.ori %gt3A_28, %and3A : vector<160x128xi1>
    %convert_element_type3A_30 = arith.extui %or3A : vector<160x128xi1> to vector<160x128xi32>
    %convert_element_type3A_31 = arith.sitofp %convert_element_type3A_30 : vector<160x128xi32> to vector<160x128xf32>
    %iota3A_32 = tpu.iota {dimensions = array<i32: 0>} : vector<128x128xi32>
    %iota3A_33 = tpu.iota {dimensions = array<i32: 1>} : vector<128x128xi32>
    %le3A_34 = arith.cmpi sle, %iota3A_32, %iota3A_33 : vector<128x128xi32>
    %convert_element_type3A_35 = arith.extui %le3A_34 : vector<128x128xi1> to vector<128x128xi32>
    %convert_element_type3A_36 = arith.sitofp %convert_element_type3A_35 : vector<128x128xi32> to vector<128x128xf32>
    %dot_general3A = arith.constant dense<0.000000e+00> : vector<160x128xf32>
    %dot_general3A_37 = tpu.matmul %convert_element_type3A_31, %convert_element_type3A_36, %dot_general3A {dimension_numbers = #tpu.dot_dimension_numbers<[1], [0], [0], [1], [0, 0, 1, 1], [], []>, transpose_lhs_hint = false} : vector<160x128xf32>, vector<128x128xf32>, vector<160x128xf32> -> vector<160x128xf32>
    %slice3A = vector.extract_strided_slice %dot_general3A_37 {offsets = [0, 127], sizes = [160, 1], strides = [1, 1]} : vector<160x128xf32> to vector<160x1xf32>
    %iota3A_38 = tpu.iota {dimensions = array<i32: 1>} : vector<160x160xi32>
    %iota3A_39 = tpu.iota {dimensions = array<i32: 0>} : vector<160x160xi32>
    %lt3A = arith.cmpi slt, %iota3A_38, %iota3A_39 : vector<160x160xi32>
    %convert_element_type3A_40 = arith.extui %lt3A : vector<160x160xi1> to vector<160x160xi32>
    %convert_element_type3A_41 = arith.sitofp %convert_element_type3A_40 : vector<160x160xi32> to vector<160x160xf32>
    %dot_general3A_42 = arith.constant dense<0.000000e+00> : vector<160x1xf32>
    %dot_general3A_43 = tpu.matmul %convert_element_type3A_41, %slice3A, %dot_general3A_42 {dimension_numbers = #tpu.dot_dimension_numbers<[1], [0], [0], [1], [0, 0, 1, 1], [], []>, transpose_lhs_hint = false} : vector<160x160xf32>, vector<160x1xf32>, vector<160x1xf32> -> vector<160x1xf32>
    %add3A_44 = vector.broadcast %dot_general3A_43 : vector<160x1xf32> to vector<160x128xf32>
    %add3A_45 = arith.addf %add3A_44, %dot_general3A_37 : vector<160x128xf32>
    %sub3A_46 = arith.subf %add3A_45, %convert_element_type3A_31 : vector<160x128xf32>
    %convert_element_type3A_47 = arith.fptosi %sub3A_46 : vector<160x128xf32> to vector<160x128xi32>
    %swap3A = arith.constant 0 : index
    %swap3A_48 = arith.constant 0 : index
    %swap3A_49 = vector.load %arg1[%swap3A, %swap3A_48] : memref<160x128xf32, #tpu.memory_space<vmem>>, vector<160x128xf32>
    tpu.vector_store %arg1[%swap3A, %swap3A_48], %reduce_max3A_3 {strides = array<i32>} : memref<160x128xf32, #tpu.memory_space<vmem>>, vector<160x128xf32>,
    %jit3A = arith.constant 1020 : i32
    %broadcast_in_dim3A = vector.broadcast %jit3A : i32 to vector<160x128xi32>
    %select_n3A = arith.select %or3A, %convert_element_type3A_47, %broadcast_in_dim3A : vector<160x128xi1>, vector<160x128xi32>
    %swap3A_50 = arith.constant 0 : index
    %swap3A_51 = arith.constant 0 : index
    %swap3A_52 = vector.load %arg2[%swap3A_50, %swap3A_51] : memref<160x128xi32, #tpu.memory_space<vmem>>, vector<160x128xi32>
    tpu.vector_store %arg2[%swap3A_50, %swap3A_51], %select_n3A {strides = array<i32>} : memref<160x128xi32, #tpu.memory_space<vmem>>, vector<160x128xi32>,
    return
  }
}

module attributes {stable_mosaic.version = 14 : i64} {
  func.func @_nms_kernel(%arg0: memref<8x128xf32, #tpu.memory_space<vmem>>, %arg1: memref<8x128xf32, #tpu.memory_space<vmem>>, %arg2: memref<8x128xf32, #tpu.memory_space<vmem>>, %arg3: memref<8x128xf32, #tpu.memory_space<vmem>>, %arg4: memref<8x128xf32, #tpu.memory_space<vmem>>, %arg5: memref<1024x1xf32, #tpu.memory_space<vmem>>, %arg6: memref<1024x1xf32, #tpu.memory_space<vmem>>, %arg7: memref<1024x1xf32, #tpu.memory_space<vmem>>, %arg8: memref<1024x1xf32, #tpu.memory_space<vmem>>, %arg9: memref<1024x1xi32, #tpu.memory_space<vmem>>, %arg10: memref<20000x84xf32, #tpu.memory_space<vmem>>, %arg11: memref<300x84xf32, #tpu.memory_space<vmem>>) attributes {dimension_semantics = [], scalar_prefetch = 0 : i64, scratch_operands = 0 : i64, tpu.core_type = #tpu.core_type<tc>} {
    %iota3A = tpu.iota {dimensions = array<i32: 0>} : vector<8x128xi32>
    %mul3A = arith.constant 128 : i32
    %mul3A_0 = vector.broadcast %mul3A : i32 to vector<8x128xi32>
    %mul3A_1 = arith.muli %iota3A, %mul3A_0 : vector<8x128xi32>
    %iota3A_2 = tpu.iota {dimensions = array<i32: 1>} : vector<8x128xi32>
    %add3A = arith.addi %mul3A_1, %iota3A_2 : vector<8x128xi32>
    %lt3A = arith.constant 1000 : i32
    %lt3A_3 = vector.broadcast %lt3A : i32 to vector<8x128xi32>
    %lt3A_4 = arith.cmpi slt, %add3A, %lt3A_3 : vector<8x128xi32>
    %get3A = arith.constant 0 : index
    %get3A_5 = arith.constant 0 : index
    %get3A_6 = vector.load %arg0[%get3A, %get3A_5] : memref<8x128xf32, #tpu.memory_space<vmem>>, vector<8x128xf32>
    %jit3A = arith.constant 0.000000e+00 : f32
    %broadcast_in_dim3A = vector.broadcast %jit3A : f32 to vector<8x128xf32>
    %select_n3A = arith.select %lt3A_4, %get3A_6, %broadcast_in_dim3A : vector<8x128xi1>, vector<8x128xf32>
    %get3A_7 = arith.constant 0 : index
    %get3A_8 = arith.constant 0 : index
    %get3A_9 = vector.load %arg1[%get3A_7, %get3A_8] : memref<8x128xf32, #tpu.memory_space<vmem>>, vector<8x128xf32>
    %jit3A_10 = arith.constant 0.000000e+00 : f32
    %broadcast_in_dim3A_11 = vector.broadcast %jit3A_10 : f32 to vector<8x128xf32>
    %select_n3A_12 = arith.select %lt3A_4, %get3A_9, %broadcast_in_dim3A_11 : vector<8x128xi1>, vector<8x128xf32>
    %get3A_13 = arith.constant 0 : index
    %get3A_14 = arith.constant 0 : index
    %get3A_15 = vector.load %arg2[%get3A_13, %get3A_14] : memref<8x128xf32, #tpu.memory_space<vmem>>, vector<8x128xf32>
    %jit3A_16 = arith.constant 0.000000e+00 : f32
    %broadcast_in_dim3A_17 = vector.broadcast %jit3A_16 : f32 to vector<8x128xf32>
    %select_n3A_18 = arith.select %lt3A_4, %get3A_15, %broadcast_in_dim3A_17 : vector<8x128xi1>, vector<8x128xf32>
    %get3A_19 = arith.constant 0 : index
    %get3A_20 = arith.constant 0 : index
    %get3A_21 = vector.load %arg3[%get3A_19, %get3A_20] : memref<8x128xf32, #tpu.memory_space<vmem>>, vector<8x128xf32>
    %jit3A_22 = arith.constant 0.000000e+00 : f32
    %broadcast_in_dim3A_23 = vector.broadcast %jit3A_22 : f32 to vector<8x128xf32>
    %select_n3A_24 = arith.select %lt3A_4, %get3A_21, %broadcast_in_dim3A_23 : vector<8x128xi1>, vector<8x128xf32>
    %get3A_25 = arith.constant 0 : index
    %get3A_26 = arith.constant 0 : index
    %get3A_27 = vector.load %arg4[%get3A_25, %get3A_26] : memref<8x128xf32, #tpu.memory_space<vmem>>, vector<8x128xf32>
    %jit3A_28 = arith.constant -1.000000e+30 : f32
    %broadcast_in_dim3A_29 = vector.broadcast %jit3A_28 : f32 to vector<8x128xf32>
    %select_n3A_30 = arith.select %lt3A_4, %get3A_27, %broadcast_in_dim3A_29 : vector<8x128xi1>, vector<8x128xf32>
    %sub3A = arith.subf %select_n3A_18, %select_n3A : vector<8x128xf32>
    %max3A = arith.constant 0.000000e+00 : f32
    %max3A_31 = vector.broadcast %max3A : f32 to vector<8x128xf32>
    %max3A_32 = arith.maximumf %sub3A, %max3A_31 : vector<8x128xf32>
    %sub3A_33 = arith.subf %select_n3A_24, %select_n3A_12 : vector<8x128xf32>
    %max3A_34 = arith.constant 0.000000e+00 : f32
    %max3A_35 = vector.broadcast %max3A_34 : f32 to vector<8x128xf32>
    %max3A_36 = arith.maximumf %sub3A_33, %max3A_35 : vector<8x128xf32>
    %mul3A_37 = arith.mulf %max3A_32, %max3A_36 : vector<8x128xf32>
    %convert_element_type3A = arith.sitofp %add3A : vector<8x128xi32> to vector<8x128xf32>
    %scan3A = arith.constant 0 : i32
    %scan3A_38 = arith.constant 300 : i32
    %scan3A_39 = arith.addi %scan3A, %scan3A_38 : i32
    %scan3A_40 = arith.constant 1 : i32
    %scan3A_41 = scf.for %scan3A_43 = %scan3A to %scan3A_39 step %scan3A_40 iter_args(%scan3A_44 = %select_n3A_30) -> (vector<8x128xf32>)  : i32 {
      %reduce_max3A = vector.shape_cast %scan3A_44 : vector<8x128xf32> to vector<1x8x128xf32>
      %reduce_max3A_45 = arith.constant dense<0xFF800000> : vector<1xf32>
      %reduce_max3A_46 = vector.multi_reduction <maximumf>, %reduce_max3A, %reduce_max3A_45 [1, 2] : vector<1x8x128xf32> to vector<1xf32>
      %reduce_max3A_47 = vector.shape_cast %reduce_max3A_46 : vector<1xf32> to vector<1x1x1xf32>
      %reduce_max3A_48 = vector.extract %reduce_max3A_47[0, 0, 0] : f32 from vector<1x1x1xf32>
      %gt3A = arith.constant -5.000000e+29 : f32
      %gt3A_49 = arith.cmpf ogt, %reduce_max3A_48, %gt3A : f32
      %eq3A = vector.broadcast %reduce_max3A_48 : f32 to vector<8x128xf32>
      %eq3A_50 = arith.cmpf oeq, %scan3A_44, %eq3A : vector<8x128xf32>
      %jit3A_51 = arith.constant 4.096000e+03 : f32
      %broadcast_in_dim3A_52 = vector.broadcast %jit3A_51 : f32 to vector<8x128xf32>
      %select_n3A_53 = arith.select %eq3A_50, %convert_element_type3A, %broadcast_in_dim3A_52 : vector<8x128xi1>, vector<8x128xf32>
      %reduce_min3A = vector.shape_cast %select_n3A_53 : vector<8x128xf32> to vector<1x8x128xf32>
      %reduce_min3A_54 = arith.constant dense<0x7F800000> : vector<1xf32>
      %reduce_min3A_55 = vector.multi_reduction <minimumf>, %reduce_min3A, %reduce_min3A_54 [1, 2] : vector<1x8x128xf32> to vector<1xf32>
      %reduce_min3A_56 = vector.shape_cast %reduce_min3A_55 : vector<1xf32> to vector<1x1x1xf32>
      %reduce_min3A_57 = vector.extract %reduce_min3A_56[0, 0, 0] : f32 from vector<1x1x1xf32>
      %convert_element_type3A_58 = arith.fptosi %reduce_min3A_57 : f32 to i32
      %eq3A_59 = vector.broadcast %reduce_min3A_57 : f32 to vector<8x128xf32>
      %eq3A_60 = arith.cmpf oeq, %convert_element_type3A, %eq3A_59 : vector<8x128xf32>
      %get3A_61 = arith.index_cast %convert_element_type3A_58 : i32 to index
      %get3A_62 = arith.constant 0 : index
      %get3A_63 = vector.load %arg5[%get3A_61, %get3A_62] : memref<1024x1xf32, #tpu.memory_space<vmem>>, vector<1x1xf32>
      %get3A_64 = vector.shape_cast %get3A_63 : vector<1x1xf32> to vector<1xf32>
      %squeeze3A = vector.extract %get3A_64[0] : f32 from vector<1xf32>
      %get3A_65 = arith.index_cast %convert_element_type3A_58 : i32 to index
      %get3A_66 = arith.constant 0 : index
      %get3A_67 = vector.load %arg6[%get3A_65, %get3A_66] : memref<1024x1xf32, #tpu.memory_space<vmem>>, vector<1x1xf32>
      %get3A_68 = vector.shape_cast %get3A_67 : vector<1x1xf32> to vector<1xf32>
      %squeeze3A_69 = vector.extract %get3A_68[0] : f32 from vector<1xf32>
      %get3A_70 = arith.index_cast %convert_element_type3A_58 : i32 to index
      %get3A_71 = arith.constant 0 : index
      %get3A_72 = vector.load %arg7[%get3A_70, %get3A_71] : memref<1024x1xf32, #tpu.memory_space<vmem>>, vector<1x1xf32>
      %get3A_73 = vector.shape_cast %get3A_72 : vector<1x1xf32> to vector<1xf32>
      %squeeze3A_74 = vector.extract %get3A_73[0] : f32 from vector<1xf32>
      %get3A_75 = arith.index_cast %convert_element_type3A_58 : i32 to index
      %get3A_76 = arith.constant 0 : index
      %get3A_77 = vector.load %arg8[%get3A_75, %get3A_76] : memref<1024x1xf32, #tpu.memory_space<vmem>>, vector<1x1xf32>
      %get3A_78 = vector.shape_cast %get3A_77 : vector<1x1xf32> to vector<1xf32>
      %squeeze3A_79 = vector.extract %get3A_78[0] : f32 from vector<1xf32>
      %max3A_80 = vector.broadcast %squeeze3A : f32 to vector<8x128xf32>
      %max3A_81 = arith.maximumf %max3A_80, %select_n3A : vector<8x128xf32>
      %max3A_82 = vector.broadcast %squeeze3A_69 : f32 to vector<8x128xf32>
      %max3A_83 = arith.maximumf %max3A_82, %select_n3A_12 : vector<8x128xf32>
      %min3A = vector.broadcast %squeeze3A_74 : f32 to vector<8x128xf32>
      %min3A_84 = arith.minimumf %min3A, %select_n3A_18 : vector<8x128xf32>
      %min3A_85 = vector.broadcast %squeeze3A_79 : f32 to vector<8x128xf32>
      %min3A_86 = arith.minimumf %min3A_85, %select_n3A_24 : vector<8x128xf32>
      %sub3A_87 = arith.subf %min3A_84, %max3A_81 : vector<8x128xf32>
      %max3A_88 = arith.constant 0.000000e+00 : f32
      %max3A_89 = vector.broadcast %max3A_88 : f32 to vector<8x128xf32>
      %max3A_90 = arith.maximumf %sub3A_87, %max3A_89 : vector<8x128xf32>
      %sub3A_91 = arith.subf %min3A_86, %max3A_83 : vector<8x128xf32>
      %max3A_92 = arith.constant 0.000000e+00 : f32
      %max3A_93 = vector.broadcast %max3A_92 : f32 to vector<8x128xf32>
      %max3A_94 = arith.maximumf %sub3A_91, %max3A_93 : vector<8x128xf32>
      %mul3A_95 = arith.mulf %max3A_90, %max3A_94 : vector<8x128xf32>
      %sub3A_96 = arith.subf %squeeze3A_74, %squeeze3A : f32
      %max3A_97 = arith.constant 0.000000e+00 : f32
      %max3A_98 = arith.maximumf %sub3A_96, %max3A_97 : f32
      %sub3A_99 = arith.subf %squeeze3A_79, %squeeze3A_69 : f32
      %max3A_100 = arith.constant 0.000000e+00 : f32
      %max3A_101 = arith.maximumf %sub3A_99, %max3A_100 : f32
      %mul3A_102 = arith.mulf %max3A_98, %max3A_101 : f32
      %add3A_103 = vector.broadcast %mul3A_102 : f32 to vector<8x128xf32>
      %add3A_104 = arith.addf %add3A_103, %mul3A_37 : vector<8x128xf32>
      %sub3A_105 = arith.subf %add3A_104, %mul3A_95 : vector<8x128xf32>
      %max3A_106 = arith.constant 9.99999971E-10 : f32
      %max3A_107 = vector.broadcast %max3A_106 : f32 to vector<8x128xf32>
      %max3A_108 = arith.maximumf %sub3A_105, %max3A_107 : vector<8x128xf32>
      %div3A = arith.divf %mul3A_95, %max3A_108 : vector<8x128xf32>
      %gt3A_109 = arith.constant 4.000000e-01 : f32
      %gt3A_110 = vector.broadcast %gt3A_109 : f32 to vector<8x128xf32>
      %gt3A_111 = arith.cmpf ogt, %div3A, %gt3A_110 : vector<8x128xf32>
      %or3A = arith.ori %gt3A_111, %eq3A_60 : vector<8x128xi1>
      %and3A = vector.broadcast %gt3A_49 : i1 to vector<8x128xi1>
      %and3A_112 = arith.andi %and3A, %or3A : vector<8x128xi1>
      %jit3A_113 = arith.constant -1.000000e+30 : f32
      %broadcast_in_dim3A_114 = vector.broadcast %jit3A_113 : f32 to vector<8x128xf32>
      %select_n3A_115 = arith.select %and3A_112, %broadcast_in_dim3A_114, %scan3A_44 : vector<8x128xi1>, vector<8x128xf32>
      %get3A_116 = arith.index_cast %convert_element_type3A_58 : i32 to index
      %get3A_117 = arith.constant 0 : index
      %get3A_118 = vector.load %arg9[%get3A_116, %get3A_117] : memref<1024x1xi32, #tpu.memory_space<vmem>>, vector<1x1xi32>
      %get3A_119 = vector.shape_cast %get3A_118 : vector<1x1xi32> to vector<1xi32>
      %squeeze3A_120 = vector.extract %get3A_119[0] : i32 from vector<1xi32>
      %min3A_121 = arith.constant 19999 : i32
      %min3A_122 = arith.minsi %squeeze3A_120, %min3A_121 : i32
      %get3A_123 = arith.index_cast %min3A_122 : i32 to index
      %get3A_124 = arith.constant 0 : index
      %get3A_125 = vector.load %arg10[%get3A_123, %get3A_124] : memref<20000x84xf32, #tpu.memory_space<vmem>>, vector<1x84xf32>
      %jit3A_126 = arith.constant 0.000000e+00 : f32
      %broadcast_in_dim3A_127 = vector.broadcast %jit3A_126 : f32 to vector<1x84xf32>
      %select_n3A_128 = arith.select %gt3A_49, %get3A_125, %broadcast_in_dim3A_127 : vector<1x84xf32>
      %swap3A = arith.index_cast %scan3A_43 : i32 to index
      %swap3A_129 = arith.constant 0 : index
      %swap3A_130 = vector.load %arg11[%swap3A, %swap3A_129] : memref<300x84xf32, #tpu.memory_space<vmem>>, vector<1x84xf32>
      tpu.vector_store %arg11[%swap3A, %swap3A_129], %select_n3A_128 {strides = array<i32>} : memref<300x84xf32, #tpu.memory_space<vmem>>, vector<1x84xf32>,
      scf.yield %select_n3A_115 : vector<8x128xf32>
    }
    %scan3A_42 = arith.constant 300 : i32
    return
  }
}

</mosaic_0001>

<sc_bundles>
// kernel: kernel.5.cloned.1.call-start
scs
__scs_entry_jumppad:
0x0: {  	(pc) =	sbr.rel $0x88, $3  }
0x1: {  	(tag) =	ssettag $0x0;
	lr =	simm.s32 $0x1  }
0x2: {  	[smem:$0x3F9E] =	sst lr;
	_ =	strace $0xD0000000  }
0x3: {  	_ = 	snop  }
0x4: {  	_ = 	snop  }
0x5: {  	_ = 	snop  }
0x6: {  	_ = 	snop  }
0x7: {  	_ = 	snop  }
__scs_overlays_trampoline_lowered:
0x8: {  	[smem:$0x3FAD] =	sst s0  }
0x9: {  	[smem:$0x3FAE] =	sst s1  }
0xa: {  	[smem:$0x3FAF] =	sst s2  }
0xb: {  	[smem:$0x3FB0] =	sst s3  }
0xc: {  	[smem:$0x3FB1] =	sst s4  }
0xd: {  	[smem:$0x3FB2] =	sst s5  }
0xe: {  	[smem:$0x3FB3] =	sst s6  }
0xf: {  	[smem:$0x3FB4] =	sst s7  }
0x10: {  	[smem:$0x3FB5] =	sst s8  }
0x11: {  	[smem:$0x3FB6] =	sst s9;
	s0 =	simm.s32 @!p0 $0x0  }
0x12: {  	s1 =	sld [smem:$0x3F9C];
	s0 =	simm.s32 @p0 $0x1  }
0x13: {  	[smem:$0x3FB7] =	sst s0;
	s0 =	simm.s32 @!p1 $0x0  }
0x14: {  	s2 =	sld [smem:$0x3F9B];
	s0 =	simm.s32 @p1 $0x1  }
0x15: {  	[smem:$0x3FB8] =	sst s0;
	s0 =	simm.s32 @!p2 $0x0  }
0x16: {  	s3 =	sld [smem:$0x3FDB];
	s0 =	simm.s32 @p2 $0x1  }
0x17: {  	s4 =	simm.s32 $0x1BF5;
	[smem:$0x3FBA] =	sst s0  }
0x18: {  	s0 =	sld [smem:$0x3F9D];
	_ =	swait.ge [sflag:s4], $0x0  }
0x19: {  	s7 =	sld [smem:$0x3F9E]  }
0x1a: {  	s8 =	sadd.s32 $0xFFFFE003, lr  }
0x1b: {  	s9 =	sadd.s32 $0xFFFFFEF7, lr;
	s5 =	simm.s32 $0xFFFFFFFF;
	p2 =	slt.u32 s8, $0xFFFFF086  }
0x1c: {  	p1 =	slt.u32 s9, $0xF7A;
	s5 =	simm.s32 @!p2 $0x0  }
0x1d: {  	s5 =	simm.s32 @p1 $0x1;
	p0 =	seq.s32 s7, s2  }
0x1e: {  	s7 =	smul.u32 @!p0 $0xF7A, s2;
	p2 =	seq.s32 @!p0 s5, $0x0  }
0x1f: {  	s9 =	smul.u32 $0xF7A, s1;
	s8 =	simm.s32 @!p0 $0x1BF5;
	p2 =	por !p2, p0  }
0x20: {  	[sflag:s8] =	ssyncset.s32 @!p0 $0xFFFFF086;
	s6 =	sadd.s32 @!p0 s3, s7;
	s7 =	simm.s32 @!p0 $0x108  }
0x21: {  	s3 =	sadd.s32 s3, s9;
	s6 =	sadd.s32 @!p0 $0x88, s6;
	s7 =	simm.s32 @p2 $0x1082  }
0x22: {  	[simem:s7], [sflag:s8] =	dma.local @!p0 [hbm:s6], $0xF7A  }
0x23: {  	s9 =	sor.u32 $0xD0000000, s2;
	s6 =	simm.s32 $0x108;
	_ =	swait.ge @!p0 [sflag:s8], $0x0  }
0x24: {  	s3 =	sadd.s32 $0x88, s3;
	s6 =	simm.s32 @!p1 $0x1082;
	[sflag:s4] =	ssyncset.s32 $0xFFFFF086  }
0x25: {  	[simem:s6], [sflag:s4] =	dma.local [hbm:s3], $0xF7A  }
0x26: {  	[smem:$0x3F9E] =	sst s1;
	(tag) =	ssettag s2;
	_ =	strace s9  }
0x27: {  	s1 =	sld [smem:$0x3FAE]  }
0x28: {  	s2 =	sld [smem:$0x3FAF]  }
0x29: {  	s4 =	sld [smem:$0x3FB1]  }
0x2a: {  	p0 =	seq.s32 s5, $0x0;
	s5 =	sld [smem:$0x3FB2]  }
0x2b: {  	s6 =	sld [smem:$0x3FB3]  }
0x2c: {  	s7 =	sld [smem:$0x3FB4]  }
0x2d: {  	s3 =	simm.s32 $0x108;
	s8 =	sld [smem:$0x3FB5]  }
0x2e: {  	s3 =	simm.s32 @!p0 $0x1082;
	s9 =	sld [smem:$0x3FB6]  }
0x2f: {  	lr =	sadd.s32 s0, s3;
	s0 =	sld [smem:$0x3FAD]  }
0x30: {  	s3 =	sld [smem:$0x3FB0]  }
0x31: {  	[smem:$0x3FB9] =	sst s10  }
0x32: {  	s10 =	sld [smem:$0x3FB7];
	_ =	sdelay $0x3  }
0x33: {  	p0 =	seq.s32 s10, $0x1;
	s10 =	sld [smem:$0x3FB9];
	_ =	sdelay $0x3  }
0x34: {  	[smem:$0x3FB9] =	sst s10  }
0x35: {  	s10 =	sld [smem:$0x3FB8];
	_ =	sdelay $0x3  }
0x36: {  	p1 =	seq.s32 s10, $0x1;
	s10 =	sld [smem:$0x3FB9];
	_ =	sdelay $0x3  }
0x37: {  	[smem:$0x3FB9] =	sst s10  }
0x38: {  	s10 =	sld [smem:$0x3FBA]  }
0x39: {  	_ = 	snop;
	(pc) =	sbr.ind lr, $3  }
0x3a: {  	_ = 	snop  }
0x3b: {  	_ = 	snop  }
0x3c: {  	p2 =	seq.s32 s10, $0x1;
	s10 =	sld [smem:$0x3FB9]  }
0x3d: {  	_ =	shalt  }
0x3e: {  	_ =	shalt  }
0x3f: {  	_ =	shalt  }
0x40: {  	_ =	shalt  }
0x41: {  	_ =	shalt  }
0x42: {  	_ =	shalt  }
0x43: {  	_ =	shalt  }
0x44: {  	_ =	shalt  }
0x45: {  	_ =	shalt  }
0x46: {  	_ =	shalt  }
0x47: {  	_ =	shalt  }
0x48: {  	_ =	shalt  }
0x49: {  	_ =	shalt  }
0x4a: {  	_ =	shalt  }
0x4b: {  	_ =	shalt  }
0x4c: {  	_ =	shalt  }
0x4d: {  	_ =	shalt  }
0x4e: {  	_ =	shalt  }
0x4f: {  	_ =	shalt  }
0x50: {  	_ =	shalt  }
0x51: {  	_ =	shalt  }
0x52: {  	_ =	shalt  }
0x53: {  	_ =	shalt  }
0x54: {  	_ =	shalt  }
0x55: {  	_ =	shalt  }
0x56: {  	_ =	shalt  }
0x57: {  	_ =	shalt  }
0x58: {  	_ =	shalt  }
0x59: {  	_ =	shalt  }
0x5a: {  	_ =	shalt  }
0x5b: {  	_ =	shalt  }
0x5c: {  	_ =	shalt  }
0x5d: {  	_ =	shalt  }
0x5e: {  	_ =	shalt  }
0x5f: {  	_ =	shalt  }
0x60: {  	_ =	shalt  }
0x61: {  	_ =	shalt  }
0x62: {  	_ =	shalt  }
0x63: {  	_ =	shalt  }
0x64: {  	_ =	shalt  }
0x65: {  	_ =	shalt  }
0x66: {  	_ =	shalt  }
0x67: {  	_ =	shalt  }
0x68: {  	_ =	shalt  }
0x69: {  	_ =	shalt  }
0x6a: {  	_ =	shalt  }
0x6b: {  	_ =	shalt  }
0x6c: {  	_ =	shalt  }
0x6d: {  	_ =	shalt  }
0x6e: {  	_ =	shalt  }
0x6f: {  	_ =	shalt  }
0x70: {  	_ =	shalt  }
0x71: {  	_ =	shalt  }
0x72: {  	_ =	shalt  }
0x73: {  	_ =	shalt  }
0x74: {  	_ =	shalt  }
0x75: {  	_ =	shalt  }
0x76: {  	_ =	shalt  }
0x77: {  	_ =	shalt  }
0x78: {  	_ =	shalt  }
0x79: {  	_ =	shalt  }
0x7a: {  	_ =	shalt  }
0x7b: {  	_ =	shalt  }
0x7c: {  	_ =	shalt  }
0x7d: {  	_ =	shalt  }
0x7e: {  	_ =	shalt  }
0x7f: {  	_ =	shalt  }
0x80: {  	_ =	shalt  }
0x81: {  	_ =	shalt  }
0x82: {  	_ =	shalt  }
0x83: {  	_ =	shalt  }
0x84: {  	_ =	shalt  }
0x85: {  	_ =	shalt  }
0x86: {  	_ =	shalt  }
0x87: {  	_ =	shalt  }
.Lfunc_end0:
.L_simem_size_0:
called_computation_lowered:
.L_overlay_start_0:
0x88: {  	s2 =	sld [smem:$0x3FD9]  }
0x89: {  	s3 =	sld [smem:$0x3FFE];
	_ =	sdelay $0x1  }
0x8a: {  	s1 =	srdreg.scid  }
0x8b: {  	s0 =	sand.u32 $0x1, s1  }
0x8c: {  	s17 =	sshll.u32 s0, $0xA;
	s2 =	sadd.s32 s3, s2  }
0x8d: {  	s2 =	sadd.s32 s2, s17  }
0x8e: {  	[smem:$0x3FC5] =	sst s2  }
0x8f: {  	_ = 	snop  }
0x90: {  	s2 =	sld [smem:$0x3FD0];
	(tm) =	ssettm $0x1  }
0x91: {  	s18 =	sld [smem:$0x3FFB];
	_ =	sdelay $0x3  }
0x92: {  	_ =	strace s18  }
0x93: {  	s3 =	sld [smem:$0x3FFC];
	_ =	sdelay $0x3  }
0x94: {  	_ =	strace s3  }
0x95: {  	s3 =	sld [smem:$0x3FFD];
	_ =	sdelay $0x3  }
0x96: {  	_ =	strace s3  }
0x97: {  	_ =	strace $0x8FFFFFFF  }
0x98: {  	s19 =	sld [smem:$0x3FDB];
	_ =	sdelay $0x1  }
0x99: {  	s4 =	simm.s32 $_scs_section_size  }
0x9a: {  	s5 =	simm.s32 $_size__tile_overlayer_lowered;
	s6 =	simm.s32 $_tile_overlayer_lowered  }
0x9b: {  	s22 =	simm.s32 $0x1BFF;
	s21 =	sshll.u32 s6, $0x1;
	s3 =	sadd.s32 s4, s19  }
0x9c: {  	s7 =	simm.s32 $0x0;
	s20 =	sshll.u32 s5, $0x1;
	s5 =	sadd.s32 s21, s3  }
0x9d: {  	[timem:s7], [sflag:s22] =	dma.local [hbm:s5], s20  }
0x9e: {  	_ =	swait.ge [sflag:s22], s20  }
0x9f: {  	s4 =	ssub.s32 $0x0, s20;
	[sflag:s22] =	ssyncset.done $0x0  }
0xa0: {  	[sflag:s22] =	ssyncadd.s32 s4;
	_ =	sdelay $0x1  }
0xa1: {  	s23 =	simm.s32 $0x1B8B  }
0xa2: {  	_ =	swait.ge [sflag:s23], $0x1  }
0xa3: {  	[sflag:s23] =	ssyncset.done $0x0  }
0xa4: {  	s25 =	simm.s32 $0x1B8E;
	s24 =	sld [smem:$0x3FFE];
	[sflag:s23] =	ssyncadd.s32 $0xFFFFFFFF  }
0xa5: {  	s26 =	simm.s32 $execute0_lowered;
	[smem:$0x3FD2] =	sst s25  }
0xa6: {  	s5 =	sshll.u32 s26, $0x1;
	_ =	strace $0x80000046;
	[dreg:$0x1] =	wrdreg $0xFFFFFFFF  }
0xa7: {  	s28 =	simm.s32 $_size_execute0_lowered;
	s3 =	sadd.s32 s3, s5;
	[dreg:$0x0] =	wrdreg $0x0  }
0xa8: {  	s5 =	sshll.u32 s28, $0x1;
	[dreg:$0x2] =	wrdreg s3  }
0xa9: {  	[dreg:$0x3] =	wrdreg s5  }
0xaa: {  	[dreg:$0x4] =	wrdreg $0xC0  }
0xab: {  	_ =	task [dreg:s7], $0x5FFFF  }
0xac: {  	[dreg:$0x1] =	wrdreg $0xFFFFFFFF  }
0xad: {  	[dreg:$0x0] =	wrdreg $0x60  }
0xae: {  	[dreg:$0x2] =	wrdreg s2  }
0xaf: {  	[dreg:$0x3] =	wrdreg s24  }
0xb0: {  	[dreg:$0x4] =	wrdreg $0xA0000  }
0xb1: {  	[dreg:$0x5] =	wrdreg $0xA4400  }
0xb2: {  	[dreg:$0x6] =	wrdreg $0x9  }
0xb3: {  	_ =	task.clear_ibuf [dreg:s7], $0x7FFFF;
	_ =	strace $0x90000046  }
0xb4: {  	s29 =	simm.s32 $0x9;
	_ =	strace $0x80000048  }
0xb5: {  	_ =	swait.ge [sflag:s29], $0x1  }
0xb6: {  	[sflag:s29] =	ssyncadd.s32 $0xFFFFFFFF  }
0xb7: {  	_ =	strace $0x90000048  }
0xb8: {  	_ =	sfence  }
0xb9: {  	s30 =	sld [smem:$0x0];
	_ =	sdelay $0x2  }
0xba: {  	s31 =	sshll.u32 s1, $0xD;
	s1 =	sshrl.u32 s1, $0x2  }
0xbb: {  	s3 =	sand.u32 $0x4000, s31;
	s1 =	sadd.s32 s1, s30  }
0xbc: {  	s0 =	sor.u32 s3, s0;
	s1 =	sshll.u32 s1, $0x11  }
0xbd: {  	s0 =	sor.u32 s1, s0  }
0xbe: {  	s0 =	sadd.s32 $0x8F2B, s0  }
0xbf: {  	[sflag:s0] =	ssyncadd.remote.s32 $0x1  }
0xc0: {  	_ =	sfence.sel $0xFFFF  }
0xc1: {  	[dreg:$0x0] =	wrdreg $0xFFFFFFFF;
	(pc) =	sbr.abs _section_cstart, $3  }
0xc2: {  	[dreg:$0x1] =	wrdreg $0xFFFFFFFF  }
0xc3: {  	_ =	task.clear_ibuf [dreg:s7], $0x2FFFF;
	_ =	strace $0x9FFFFFFF  }
0xc4: {  	(tm) =	ssettm $0x7FFFFFFF  }
0xc5: {  	_ =	shalt  }
tec
execute0_lowered:
.L_overlay_start_1:
0x0: {  	(tag) =	ssettag $0x1  }
0x1: {  	s1 =	srdreg.scid  }
0x2: {  	s12 =	sand.u32 $0x1, s1;
	s1 =	stileid.u32  }
0x3: {  	s5 =	sshll.u32 s1, $0x1;
	s6 =	ssub.s32 $0x0, s12  }
0x4: {  	p0 =	sne.s32 s5, s6  }
.Ltmp0:
0x5: {  	s0 =	rddreg [dreg:$0x0];
	(pc) =	sbr.rel @p0 .LBB2_3-.Ltmp0, $4  }
0x6: {  	s16 =	rddreg [dreg:$0x1]  }
0x7: {  	s3 =	rddreg [dreg:$0x2]  }
0x8: {  	s4 =	rddreg [dreg:$0x3]  }
0x9: {  	s2 =	rddreg [dreg:$0x4];
	_ =	strace $0x80000047  }
0xa: {  	s5 =	sadd.s32 $0x5600, s16;
	s6 =	sadd.s32 $0x4C00, s16  }
0xb: {  	s7 =	sadd.s32 $0x3800, s16;
	s8 =	sadd.s32 $0x4200, s16;
	s9 =	sadd.s32 $0x2E00, s16  }
0xc: {  	s10 =	sadd.s32 $0x2400, s16;
	s11 =	sadd.s32 $0x6000, s16;
	s17 =	ssub.s32 $0x2, s12  }
0xd: {  	s12 =	sadd.s32 $0x6200, s16;
	s13 =	sadd.s32 $0x6400, s16;
	s14 =	sadd.s32 $0x6600, s16  }
0xe: {  	s15 =	sadd.s32 $0x6800, s16;
	s16 =	sadd.s32 $0x6A00, s16;
	s19 =	simm.s32 $0x2  }
0xf: {  	s20 =	simm.s32 $0x5000;
	s23 =	sshll.u32 s1, $0x6;
	s21 =	simm.s32 $0x1  }
0x10: {  	s22 =	simm.s32 $0xA040;
	s24 =	sshrl.u32 s4, $0x3;
	s18 =	sshrl.u32 s17, $0x1  }
0x11: {  	s25 =	simm.s32 $0x400;
	s26 =	simm.s32 $0xA940;
	s17 =	ssub.s32 s17, s18  }
0x12: {  	s23 =	sor.u32 $0x1C02, s23;
	s18 =	simm.s32 $0x0;
	s17 =	smax.u32 s17, $0x1  }
.LBB2_2:
0x13: {  	[tilespmem:s18], [sflag:$0x2] =	stream.linear.gather [hbm4b:s0+s18], $0x5000, $0x38;
	[tilespmem:$0xAD40] =	vst v63  }
0x14: {  	_ =	swait.ge [sflag:s19], $0x5000  }
0x15: {  	[sflag:s19] =	ssyncset.done $0x0  }
0x16: {  	[sflag:s19] =	ssyncadd.s32 $0xFFFFB000  }
0x17: {  	[tilespmem:s20], [sflag:$0x2] =	stream.linear.gather [hbm4b:s5+s18], $0x5000, $0x38;
	[tilespmem:$0xAD40] =	vst v63  }
0x18: {  	_ =	swait.ge [sflag:s19], $0x5000  }
0x19: {  	[sflag:s19] =	ssyncset.done $0x0  }
0x1a: {  	[sflag:s19] =	ssyncadd.s32 $0xFFFFB000  }
0x1b: {  	[spmem:s3] =	stream.indirect.scatter [tilespmem:s20], [sflag:$0x1], $0x1, s18, s20, $0xb8;
	[tilespmem:$0xAD40] =	vst v63  }
0x1c: {  	_ =	swait.ge [sflag:s21], $0x5000  }
0x1d: {  	[sflag:s21] =	ssyncset.done $0x0  }
0x1e: {  	[sflag:s21] =	ssyncadd.s32 $0xFFFFB000  }
0x1f: {  	[tilespmem:s22], [sflag:$0x2] =	stream.linear.gather [spmem:s3], $0x400, $0x38;
	[tilespmem:$0xAD40] =	vst v63  }
0x20: {  	_ =	swait.ge [sflag:s19], $0x400  }
0x21: {  	[sflag:s19] =	ssyncset.done $0x0  }
0x22: {  	[sflag:s19] =	ssyncadd.s32 $0xFFFFFC00  }
0x23: {  	v0 =	vld [tilespmem:$0xA040]  }
0x24: {  	v1 =	vld [tilespmem:$0xA050]  }
0x25: {  	v2 =	vld [tilespmem:$0xA060]  }
0x26: {  	v3 =	vld [tilespmem:$0xA070]  }
0x27: {  	v4 =	vld [tilespmem:$0xA080]  }
0x28: {  	v5 =	vld [tilespmem:$0xA090];
	vm0 =	vgt.s32 v0, $0x0  }
0x29: {  	v6 =	vld [tilespmem:$0xA0A0];
	vm13 =	vgt.s32 v1, $0x0;
	v0 =	vnsel vm0, $0x0, v0  }
0x2a: {  	v7 =	vld [tilespmem:$0xA0B0];
	vm14 =	vgt.s32 v2, $0x0;
	v1 =	vnsel vm13, $0x0, v1;
	v0 =	vmin.u32 v0, $0x4FFF  }
0x2b: {  	v52 =	vld [tilespmem:$0xA0C0];
	vm15 =	vgt.s32 v3, $0x0;
	v51 =	vnsel vm14, $0x0, v2;
	v50 =	vmin.u32 v1, $0x4FFF;
	[tilespmem:$0xA040] =	vst v0  }
0x2c: {  	v55 =	vld [tilespmem:$0xA0D0];
	vm4 =	vgt.s32 v4, $0x0;
	v54 =	vnsel vm15, $0x0, v3;
	v53 =	vmin.u32 v51, $0x4FFF;
	[tilespmem:$0xA050] =	vst v50  }
0x2d: {  	v58 =	vld [tilespmem:$0xA0E0];
	vm5 =	vgt.s32 v5, $0x0;
	v57 =	vnsel vm4, $0x0, v4;
	v56 =	vmin.u32 v54, $0x4FFF;
	[tilespmem:$0xA060] =	vst v53  }
0x2e: {  	v61 =	vld [tilespmem:$0xA0F0];
	vm6 =	vgt.s32 v6, $0x0;
	v60 =	vnsel vm5, $0x0, v5;
	v59 =	vmin.u32 v57, $0x4FFF;
	[tilespmem:$0xA070] =	vst v56  }
0x2f: {  	v9 =	vld [tilespmem:$0xA100];
	vm7 =	vgt.s32 v7, $0x0;
	v63 =	vnsel vm6, $0x0, v6;
	v62 =	vmin.u32 v60, $0x4FFF;
	[tilespmem:$0xA080] =	vst v59  }
0x30: {  	v12 =	vld [tilespmem:$0xA110];
	vm8 =	vgt.s32 v52, $0x0;
	v11 =	vnsel vm7, $0x0, v7;
	v10 =	vmin.u32 v63, $0x4FFF;
	[tilespmem:$0xA090] =	vst v62  }
0x31: {  	v15 =	vld [tilespmem:$0xA120];
	vm9 =	vgt.s32 v55, $0x0;
	v14 =	vnsel vm8, $0x0, v52;
	v13 =	vmin.u32 v11, $0x4FFF;
	[tilespmem:$0xA0A0] =	vst v10  }
0x32: {  	v18 =	vld [tilespmem:$0xA130];
	vm10 =	vgt.s32 v58, $0x0;
	v17 =	vnsel vm9, $0x0, v55;
	v16 =	vmin.u32 v14, $0x4FFF;
	[tilespmem:$0xA0B0] =	vst v13  }
0x33: {  	v21 =	vld [tilespmem:$0xA140];
	vm11 =	vgt.s32 v61, $0x0;
	v20 =	vnsel vm10, $0x0, v58;
	v19 =	vmin.u32 v17, $0x4FFF;
	[tilespmem:$0xA0C0] =	vst v16  }
0x34: {  	v24 =	vld [tilespmem:$0xA150];
	vm12 =	vgt.s32 v9, $0x0;
	v23 =	vnsel vm11, $0x0, v61;
	v22 =	vmin.u32 v20, $0x4FFF;
	[tilespmem:$0xA0D0] =	vst v19  }
0x35: {  	v27 =	vld [tilespmem:$0xA160];
	v26 =	vnsel vm12, $0x0, v9;
	vm13 =	vgt.s32 v12, $0x0;
	v25 =	vmin.u32 v23, $0x4FFF;
	[tilespmem:$0xA0E0] =	vst v22  }
0x36: {  	v30 =	vld [tilespmem:$0xA170];
	vm14 =	vgt.s32 v15, $0x0;
	v28 =	vmin.u32 v26, $0x4FFF;
	v29 =	vnsel vm13, $0x0, v12;
	[tilespmem:$0xA0F0] =	vst v25  }
0x37: {  	v33 =	vld [tilespmem:$0xA180];
	vm15 =	vgt.s32 v18, $0x0;
	v32 =	vnsel vm14, $0x0, v15;
	[tilespmem:$0xA100] =	vst v28;
	v31 =	vmin.u32 v29, $0x4FFF  }
0x38: {  	v36 =	vld [tilespmem:$0xA190];
	vm4 =	vgt.s32 v21, $0x0;
	v35 =	vnsel vm15, $0x0, v18;
	v34 =	vmin.u32 v32, $0x4FFF;
	[tilespmem:$0xA110] =	vst v31  }
0x39: {  	v39 =	vld [tilespmem:$0xA1A0];
	vm5 =	vgt.s32 v24, $0x0;
	v38 =	vnsel vm4, $0x0, v21;
	v37 =	vmin.u32 v35, $0x4FFF;
	[tilespmem:$0xA120] =	vst v34  }
0x3a: {  	v42 =	vld [tilespmem:$0xA1B0];
	vm6 =	vgt.s32 v27, $0x0;
	v41 =	vnsel vm5, $0x0, v24;
	v40 =	vmin.u32 v38, $0x4FFF;
	[tilespmem:$0xA130] =	vst v37  }
0x3b: {  	v45 =	vld [tilespmem:$0xA1C0];
	vm7 =	vgt.s32 v30, $0x0;
	v44 =	vnsel vm6, $0x0, v27;
	v43 =	vmin.u32 v41, $0x4FFF;
	[tilespmem:$0xA140] =	vst v40  }
0x3c: {  	v48 =	vld [tilespmem:$0xA1D0];
	vm8 =	vgt.s32 v33, $0x0;
	v47 =	vnsel vm7, $0x0, v30;
	v46 =	vmin.u32 v44, $0x4FFF;
	[tilespmem:$0xA150] =	vst v43  }
0x3d: {  	vm9 =	vgt.s32 v36, $0x0;
	v51 =	vld [tilespmem:$0xA1E0];
	v49 =	vmin.u32 v47, $0x4FFF;
	v50 =	vnsel vm8, $0x0, v33;
	[tilespmem:$0xA160] =	vst v46  }
0x3e: {  	vm10 =	vgt.s32 v39, $0x0;
	v54 =	vld [tilespmem:$0xA1F0];
	v53 =	vnsel vm9, $0x0, v36;
	[tilespmem:$0xA170] =	vst v49;
	v52 =	vmin.u32 v50, $0x4FFF  }
0x3f: {  	vm11 =	vgt.s32 v42, $0x0;
	v57 =	vld [tilespmem:$0xA200];
	v56 =	vnsel vm10, $0x0, v39;
	v55 =	vmin.u32 v53, $0x4FFF;
	[tilespmem:$0xA180] =	vst v52  }
0x40: {  	vm12 =	vgt.s32 v45, $0x0;
	v60 =	vld [tilespmem:$0xA210];
	v59 =	vnsel vm11, $0x0, v42;
	v58 =	vmin.u32 v56, $0x4FFF;
	[tilespmem:$0xA190] =	vst v55  }
0x41: {  	vm13 =	vgt.s32 v48, $0x0;
	v63 =	vld [tilespmem:$0xA220];
	v62 =	vnsel vm12, $0x0, v45;
	v61 =	vmin.u32 v59, $0x4FFF;
	[tilespmem:$0xA1A0] =	vst v58  }
0x42: {  	v11 =	vld [tilespmem:$0xA230];
	v10 =	vnsel vm13, $0x0, v48;
	v9 =	vmin.u32 v62, $0x4FFF;
	[tilespmem:$0xA1B0] =	vst v61;
	vm14 =	vgt.s32 v51, $0x0  }
0x43: {  	v14 =	vld [tilespmem:$0xA240];
	v12 =	vmin.u32 v10, $0x4FFF;
	[tilespmem:$0xA1C0] =	vst v9;
	vm15 =	vgt.s32 v54, $0x0;
	v13 =	vnsel vm14, $0x0, v51  }
0x44: {  	v17 =	vld [tilespmem:$0xA250];
	[tilespmem:$0xA1D0] =	vst v12;
	vm4 =	vgt.s32 v57, $0x0;
	v16 =	vnsel vm15, $0x0, v54;
	v15 =	vmin.u32 v13, $0x4FFF  }
0x45: {  	v20 =	vld [tilespmem:$0xA260];
	vm5 =	vgt.s32 v60, $0x0;
	v19 =	vnsel vm4, $0x0, v57;
	v18 =	vmin.u32 v16, $0x4FFF;
	[tilespmem:$0xA1E0] =	vst v15  }
0x46: {  	v23 =	vld [tilespmem:$0xA270];
	vm6 =	vgt.s32 v63, $0x0;
	v22 =	vnsel vm5, $0x0, v60;
	v21 =	vmin.u32 v19, $0x4FFF;
	[tilespmem:$0xA1F0] =	vst v18  }
0x47: {  	v26 =	vld [tilespmem:$0xA280];
	vm7 =	vgt.s32 v11, $0x0;
	v25 =	vnsel vm6, $0x0, v63;
	v24 =	vmin.u32 v22, $0x4FFF;
	[tilespmem:$0xA200] =	vst v21  }
0x48: {  	v29 =	vld [tilespmem:$0xA290];
	vm8 =	vgt.s32 v14, $0x0;
	v28 =	vnsel vm7, $0x0, v11;
	v27 =	vmin.u32 v25, $0x4FFF;
	[tilespmem:$0xA210] =	vst v24  }
0x49: {  	v32 =	vld [tilespmem:$0xA2A0];
	vm9 =	vgt.s32 v17, $0x0;
	v31 =	vnsel vm8, $0x0, v14;
	v30 =	vmin.u32 v28, $0x4FFF;
	[tilespmem:$0xA220] =	vst v27  }
0x4a: {  	v35 =	vld [tilespmem:$0xA2B0];
	vm10 =	vgt.s32 v20, $0x0;
	v34 =	vnsel vm9, $0x0, v17;
	v33 =	vmin.u32 v31, $0x4FFF;
	[tilespmem:$0xA230] =	vst v30  }
0x4b: {  	v38 =	vld [tilespmem:$0xA2C0];
	vm11 =	vgt.s32 v23, $0x0;
	v37 =	vnsel vm10, $0x0, v20;
	v36 =	vmin.u32 v34, $0x4FFF;
	[tilespmem:$0xA240] =	vst v33  }
0x4c: {  	v41 =	vld [tilespmem:$0xA2D0];
	vm12 =	vgt.s32 v26, $0x0;
	v40 =	vnsel vm11, $0x0, v23;
	v39 =	vmin.u32 v37, $0x4FFF;
	[tilespmem:$0xA250] =	vst v36  }
0x4d: {  	v44 =	vld [tilespmem:$0xA2E0];
	v43 =	vnsel vm12, $0x0, v26;
	vm13 =	vgt.s32 v29, $0x0;
	v42 =	vmin.u32 v40, $0x4FFF;
	[tilespmem:$0xA260] =	vst v39  }
0x4e: {  	v47 =	vld [tilespmem:$0xA2F0];
	vm14 =	vgt.s32 v32, $0x0;
	v45 =	vmin.u32 v43, $0x4FFF;
	v46 =	vnsel vm13, $0x0, v29;
	[tilespmem:$0xA270] =	vst v42  }
0x4f: {  	v50 =	vld [tilespmem:$0xA300];
	vm15 =	vgt.s32 v35, $0x0;
	v49 =	vnsel vm14, $0x0, v32;
	[tilespmem:$0xA280] =	vst v45;
	v48 =	vmin.u32 v46, $0x4FFF  }
0x50: {  	v53 =	vld [tilespmem:$0xA310];
	vm4 =	vgt.s32 v38, $0x0;
	v52 =	vnsel vm15, $0x0, v35;
	v51 =	vmin.u32 v49, $0x4FFF;
	[tilespmem:$0xA290] =	vst v48  }
0x51: {  	v56 =	vld [tilespmem:$0xA320];
	vm5 =	vgt.s32 v41, $0x0;
	v55 =	vnsel vm4, $0x0, v38;
	v54 =	vmin.u32 v52, $0x4FFF;
	[tilespmem:$0xA2A0] =	vst v51  }
0x52: {  	v59 =	vld [tilespmem:$0xA330];
	vm6 =	vgt.s32 v44, $0x0;
	v58 =	vnsel vm5, $0x0, v41;
	v57 =	vmin.u32 v55, $0x4FFF;
	[tilespmem:$0xA2B0] =	vst v54  }
0x53: {  	v62 =	vld [tilespmem:$0xA340];
	vm7 =	vgt.s32 v47, $0x0;
	v61 =	vnsel vm6, $0x0, v44;
	v60 =	vmin.u32 v58, $0x4FFF;
	[tilespmem:$0xA2C0] =	vst v57  }
0x54: {  	v10 =	vld [tilespmem:$0xA350];
	v9 =	vnsel vm7, $0x0, v47;
	vm8 =	vgt.s32 v50, $0x0;
	v63 =	vmin.u32 v61, $0x4FFF;
	[tilespmem:$0xA2D0] =	vst v60  }
0x55: {  	vm9 =	vgt.s32 v53, $0x0;
	v13 =	vld [tilespmem:$0xA360];
	v11 =	vmin.u32 v9, $0x4FFF;
	v12 =	vnsel vm8, $0x0, v50;
	[tilespmem:$0xA2E0] =	vst v63  }
0x56: {  	vm10 =	vgt.s32 v56, $0x0;
	v16 =	vld [tilespmem:$0xA370];
	v15 =	vnsel vm9, $0x0, v53;
	[tilespmem:$0xA2F0] =	vst v11;
	v14 =	vmin.u32 v12, $0x4FFF  }
0x57: {  	vm11 =	vgt.s32 v59, $0x0;
	v19 =	vld [tilespmem:$0xA380];
	v18 =	vnsel vm10, $0x0, v56;
	v17 =	vmin.u32 v15, $0x4FFF;
	[tilespmem:$0xA300] =	vst v14  }
0x58: {  	vm12 =	vgt.s32 v62, $0x0;
	v22 =	vld [tilespmem:$0xA390];
	v21 =	vnsel vm11, $0x0, v59;
	v20 =	vmin.u32 v18, $0x4FFF;
	[tilespmem:$0xA310] =	vst v17  }
0x59: {  	vm13 =	vgt.s32 v10, $0x0;
	v25 =	vld [tilespmem:$0xA3A0];
	v24 =	vnsel vm12, $0x0, v62;
	v23 =	vmin.u32 v21, $0x4FFF;
	[tilespmem:$0xA320] =	vst v20  }
0x5a: {  	v28 =	vld [tilespmem:$0xA3B0];
	v27 =	vnsel vm13, $0x0, v10;
	v26 =	vmin.u32 v24, $0x4FFF;
	[tilespmem:$0xA330] =	vst v23;
	vm14 =	vgt.s32 v13, $0x0  }
0x5b: {  	v31 =	vld [tilespmem:$0xA3C0];
	v29 =	vmin.u32 v27, $0x4FFF;
	[tilespmem:$0xA340] =	vst v26;
	vm15 =	vgt.s32 v16, $0x0;
	v30 =	vnsel vm14, $0x0, v13  }
0x5c: {  	v34 =	vld [tilespmem:$0xA3D0];
	[tilespmem:$0xA350] =	vst v29;
	vm4 =	vgt.s32 v19, $0x0;
	v33 =	vnsel vm15, $0x0, v16;
	v32 =	vmin.u32 v30, $0x4FFF  }
0x5d: {  	v37 =	vld [tilespmem:$0xA3E0];
	vm5 =	vgt.s32 v22, $0x0;
	v36 =	vnsel vm4, $0x0, v19;
	v35 =	vmin.u32 v33, $0x4FFF;
	[tilespmem:$0xA360] =	vst v32  }
0x5e: {  	v40 =	vld [tilespmem:$0xA3F0];
	vm6 =	vgt.s32 v25, $0x0;
	v39 =	vnsel vm5, $0x0, v22;
	v38 =	vmin.u32 v36, $0x4FFF;
	[tilespmem:$0xA370] =	vst v35  }
0x5f: {  	v43 =	vld [tilespmem:$0xA400];
	vm7 =	vgt.s32 v28, $0x0;
	v42 =	vnsel vm6, $0x0, v25;
	v41 =	vmin.u32 v39, $0x4FFF;
	[tilespmem:$0xA380] =	vst v38  }
0x60: {  	v46 =	vld [tilespmem:$0xA410];
	vm8 =	vgt.s32 v31, $0x0;
	v45 =	vnsel vm7, $0x0, v28;
	v44 =	vmin.u32 v42, $0x4FFF;
	[tilespmem:$0xA390] =	vst v41  }
0x61: {  	v49 =	vld [tilespmem:$0xA420];
	vm9 =	vgt.s32 v34, $0x0;
	v48 =	vnsel vm8, $0x0, v31;
	v47 =	vmin.u32 v45, $0x4FFF;
	[tilespmem:$0xA3A0] =	vst v44  }
0x62: {  	v52 =	vld [tilespmem:$0xA430];
	vm10 =	vgt.s32 v37, $0x0;
	v51 =	vnsel vm9, $0x0, v34;
	v50 =	vmin.u32 v48, $0x4FFF;
	[tilespmem:$0xA3B0] =	vst v47  }
0x63: {  	vm11 =	vgt.s32 v40, $0x0;
	v54 =	vnsel vm10, $0x0, v37;
	v53 =	vmin.u32 v51, $0x4FFF;
	[tilespmem:$0xA3C0] =	vst v50  }
0x64: {  	vm12 =	vgt.s32 v43, $0x0;
	v56 =	vnsel vm11, $0x0, v40;
	v55 =	vmin.u32 v54, $0x4FFF;
	[tilespmem:$0xA3D0] =	vst v53  }
0x65: {  	v58 =	vnsel vm12, $0x0, v43;
	vm13 =	vgt.s32 v46, $0x0;
	v57 =	vmin.u32 v56, $0x4FFF;
	[tilespmem:$0xA3E0] =	vst v55  }
0x66: {  	vm14 =	vgt.s32 v49, $0x0;
	v59 =	vmin.u32 v58, $0x4FFF;
	v60 =	vnsel vm13, $0x0, v46;
	[tilespmem:$0xA3F0] =	vst v57  }
0x67: {  	vm15 =	vgt.s32 v52, $0x0;
	v62 =	vnsel vm14, $0x0, v49;
	[tilespmem:$0xA400] =	vst v59;
	v61 =	vmin.u32 v60, $0x4FFF  }
0x68: {  	v63 =	vnsel vm15, $0x0, v52;
	v1 =	vmin.u32 v62, $0x4FFF;
	[tilespmem:$0xA410] =	vst v61  }
0x69: {  	v0 =	vmin.u32 v63, $0x4FFF;
	[tilespmem:$0xA420] =	vst v1  }
0x6a: {  	[tilespmem:$0xA430] =	vst v0  }
0x6b: {  	[hbm4b:s11+s18] =	stream.linear.scatter [tilespmem:s22], [sflag:$0x2], $0x400, $0x38;
	[tilespmem:$0xAD40] =	vst v63  }
0x6c: {  	_ =	swait.ge [sflag:s19], $0x400  }
0x6d: {  	[sflag:s19] =	ssyncset.done $0x0  }
0x6e: {  	[sflag:s19] =	ssyncadd.s32 $0xFFFFFC00  }
0x6f: {  	[spmem:s24], [sflag:s23] =	dma.local [hbm:s6], $0xA00  }
0x70: {  	_ =	swait.ge [sflag:s19], $0xA00  }
0x71: {  	[sflag:s19] =	ssyncset.done $0x0  }
0x72: {  	[sflag:s19] =	ssyncadd.s32 $0xFFFFF600  }
0x73: {  	[tilespmem:s26], [sflag:$0x1] =	stream.indirect.gather [spmem:s4], $0x1, s22, s25, $0xb8;
	[tilespmem:$0xAD40] =	vst v63  }
0x74: {  	_ =	swait.ge [sflag:s21], $0x400  }
0x75: {  	[sflag:s21] =	ssyncset.done $0x0  }
0x76: {  	[sflag:s21] =	ssyncadd.s32 $0xFFFFFC00  }
0x77: {  	[hbm4b:s12+s18] =	stream.linear.scatter [tilespmem:s26], [sflag:$0x2], $0x400, $0x38;
	[tilespmem:$0xAD40] =	vst v63  }
0x78: {  	_ =	swait.ge [sflag:s19], $0x400  }
0x79: {  	[sflag:s19] =	ssyncset.done $0x0  }
0x7a: {  	[sflag:s19] =	ssyncadd.s32 $0xFFFFFC00  }
0x7b: {  	[spmem:s24], [sflag:s23] =	dma.local [hbm:s7], $0xA00  }
0x7c: {  	_ =	swait.ge [sflag:s19], $0xA00  }
0x7d: {  	[sflag:s19] =	ssyncset.done $0x0  }
0x7e: {  	[sflag:s19] =	ssyncadd.s32 $0xFFFFF600  }
0x7f: {  	[tilespmem:s26], [sflag:$0x1] =	stream.indirect.gather [spmem:s4], $0x1, s22, s25, $0xb8;
	[tilespmem:$0xAD40] =	vst v63  }
0x80: {  	_ =	swait.ge [sflag:s21], $0x400  }
0x81: {  	[sflag:s21] =	ssyncset.done $0x0  }
0x82: {  	[sflag:s21] =	ssyncadd.s32 $0xFFFFFC00  }
0x83: {  	[hbm4b:s13+s18] =	stream.linear.scatter [tilespmem:s26], [sflag:$0x2], $0x400, $0x38;
	[tilespmem:$0xAD40] =	vst v63  }
0x84: {  	_ =	swait.ge [sflag:s19], $0x400  }
0x85: {  	[sflag:s19] =	ssyncset.done $0x0  }
0x86: {  	[sflag:s19] =	ssyncadd.s32 $0xFFFFFC00  }
0x87: {  	[spmem:s24], [sflag:s23] =	dma.local [hbm:s8], $0xA00  }
0x88: {  	_ =	swait.ge [sflag:s19], $0xA00  }
0x89: {  	[sflag:s19] =	ssyncset.done $0x0  }
0x8a: {  	[sflag:s19] =	ssyncadd.s32 $0xFFFFF600  }
0x8b: {  	[tilespmem:s26], [sflag:$0x1] =	stream.indirect.gather [spmem:s4], $0x1, s22, s25, $0xb8;
	[tilespmem:$0xAD40] =	vst v63  }
0x8c: {  	_ =	swait.ge [sflag:s21], $0x400  }
0x8d: {  	[sflag:s21] =	ssyncset.done $0x0  }
0x8e: {  	[sflag:s21] =	ssyncadd.s32 $0xFFFFFC00  }
0x8f: {  	[hbm4b:s14+s18] =	stream.linear.scatter [tilespmem:s26], [sflag:$0x2], $0x400, $0x38;
	[tilespmem:$0xAD40] =	vst v63  }
0x90: {  	_ =	swait.ge [sflag:s19], $0x400  }
0x91: {  	[sflag:s19] =	ssyncset.done $0x0  }
0x92: {  	[sflag:s19] =	ssyncadd.s32 $0xFFFFFC00  }
0x93: {  	[spmem:s24], [sflag:s23] =	dma.local [hbm:s9], $0xA00  }
0x94: {  	_ =	swait.ge [sflag:s19], $0xA00  }
0x95: {  	[sflag:s19] =	ssyncset.done $0x0  }
0x96: {  	[sflag:s19] =	ssyncadd.s32 $0xFFFFF600  }
0x97: {  	[tilespmem:s26], [sflag:$0x1] =	stream.indirect.gather [spmem:s4], $0x1, s22, s25, $0xb8;
	[tilespmem:$0xAD40] =	vst v63  }
0x98: {  	_ =	swait.ge [sflag:s21], $0x400  }
0x99: {  	[sflag:s21] =	ssyncset.done $0x0  }
0x9a: {  	[sflag:s21] =	ssyncadd.s32 $0xFFFFFC00  }
0x9b: {  	[hbm4b:s15+s18] =	stream.linear.scatter [tilespmem:s26], [sflag:$0x2], $0x400, $0x38;
	[tilespmem:$0xAD40] =	vst v63  }
0x9c: {  	_ =	swait.ge [sflag:s19], $0x400  }
0x9d: {  	[sflag:s19] =	ssyncset.done $0x0  }
0x9e: {  	[sflag:s19] =	ssyncadd.s32 $0xFFFFFC00  }
0x9f: {  	[spmem:s24], [sflag:s23] =	dma.local [hbm:s10], $0xA00  }
0xa0: {  	_ =	swait.ge [sflag:s19], $0xA00  }
0xa1: {  	[sflag:s19] =	ssyncset.done $0x0  }
0xa2: {  	[sflag:s19] =	ssyncadd.s32 $0xFFFFF600  }
0xa3: {  	[tilespmem:s26], [sflag:$0x1] =	stream.indirect.gather [spmem:s4], $0x1, s22, s25, $0xb8;
	[tilespmem:$0xAD40] =	vst v63  }
0xa4: {  	_ =	swait.ge [sflag:s21], $0x400  }
0xa5: {  	p0 =	sne.s32 s17, $0x1;
	[sflag:s21] =	ssyncset.done $0x0  }
.Ltmp1:
0xa6: {  	[sflag:s21] =	ssyncadd.s32 $0xFFFFFC00;
	(pc) =	sbr.rel @p0 .LBB2_2-.Ltmp1, $4  }
0xa7: {  	[hbm4b:s16+s18] =	stream.linear.scatter [tilespmem:s26], [sflag:$0x2], $0x400, $0x38;
	[tilespmem:$0xAD40] =	vst v63  }
0xa8: {  	_ =	swait.ge [sflag:s19], $0x400  }
0xa9: {  	[sflag:s19] =	ssyncset.done $0x0  }
0xaa: {  	s17 =	sadd.s32 $0xFFFFFFFF, s17;
	[sflag:s19] =	ssyncadd.s32 $0xFFFFFC00  }
.LBB2_3:
0xab: {  	_ =	sfence.sel $0x180000  }
0xac: {  	[bflag:$0x0] =	sbarrier.arrive $0xFFFF  }
0xad: {  	p0 =	sne.s32 s1, $0x0;
	_ =	strace $0x90000047  }
0xae: {  	s0 =	sadd.s32 @!p0 $0x100000, s2;
	[bflag:$0x2] =	sbarrier.arrive $0xFFFF  }
0xaf: {  	[sflag:s0] =	ssyncadd.tile.s32 @!p0 $0x1;
	_ =	shalt  }
.Lfunc_end2:
_tile_overlayer_lowered:
.L_overlay_start_2:
0xb0: {  	(tag) =	ssettag $0x2  }
0xb1: {  	s0 =	rddreg [dreg:$0x0];
	s2 =	stileid.u32  }
0xb2: {  	s1 =	rddreg [dreg:$0x1];
	p0 =	sne.s32 s2, $0x0  }
0xb3: {  	s3 =	rddreg [dreg:$0x2];
	[bflag:$0x3] =	sbarrier.arrive $0xFFFF;
	s2 =	simm.s32 @!p0 $0x1C02  }
0xb4: {  	[timem:s3], [sflag:s2] =	dma.local @!p0 [hbm:s0], s1  }
0xb5: {  	s0 =	simm.s32 @!p0 $0x2  }
0xb6: {  	_ =	swait.ge @!p0 [sflag:s0], s1  }
0xb7: {  	s1 =	ssub.s32 @!p0 $0x0, s1;
	[sflag:s0] =	ssyncset.done @!p0 $0x0  }
0xb8: {  	[sflag:s0] =	ssyncadd.s32 @!p0 s1  }
0xb9: {  	[bflag:$0x3] =	sbarrier.arrive $0xFFFF  }
0xba: {  	_ =	shalt  }

</sc_bundles>
